<compile_context>
chip_gen: v7x
topology: tpu7x:2x2x1
jax: 0.10.2.dev20260603
libtpu: 0.0.44.dev20260713+nightly
codegen_flags: <defaults>
</compile_context>

<pallas_src>
import functools

import jax
import jax.numpy as jnp
from jax import lax
from jax.experimental import pallas as pl
from jax.experimental.pallas import tpu as pltpu
from jax.experimental.pallas import tpu_sc as plsc

NUM_CORES = 2
NUM_SUBCORES = 16
NW = NUM_CORES * NUM_SUBCORES
BATCH = 256
K = 5
GROUP = K * BATCH


@functools.partial(jax.jit, static_argnames=("b_total", "dim"))
def _gather_rows(weight, idx, b_total, dim):
    b_per_w = b_total // NW
    n_steps = b_per_w // GROUP
    assert n_steps % 2 == 0 and n_steps >= 4
    mesh = plsc.VectorSubcoreMesh(core_axis_name="c", subcore_axis_name="s")

    @functools.partial(
        pl.kernel,
        out_type=jax.ShapeDtypeStruct((b_total, dim), jnp.float32),
        mesh=mesh,
        scratch_types=[
            pltpu.VMEM((b_per_w,), jnp.int32),
            pltpu.VMEM((2, GROUP, dim), jnp.float32),
            pltpu.SemaphoreType.DMA,
            pltpu.SemaphoreType.DMA((2,)),
        ],
        compiler_params=pltpu.CompilerParams(use_tc_tiling_on_sc=False),
    )
    def gather_kernel(table_hbm, idx_hbm, out_hbm, idx_v, rows_v, gsem, osem):
        wid = lax.axis_index("s") * NUM_CORES + lax.axis_index("c")
        base = wid * b_per_w
        pltpu.sync_copy(idx_hbm.at[pl.ds(base, b_per_w)], idx_v)

        def superstep(s, g, wait_out):
            del wait_out
            copies = []
            for j in range(K):
                off = pl.multiple_of(s * GROUP + j * BATCH, BATCH)
                copies.append(
                    pltpu.async_copy(
                        table_hbm.at[idx_v.at[pl.ds(off, BATCH)]],
                        rows_v.at[g, pl.ds(j * BATCH, BATCH)],
                        gsem,
                    )
                )
            for c in copies:
                c.wait()
            if s is None:
                pltpu.async_copy(
                    rows_v.at[g],
                    out_hbm.at[pl.ds(base, GROUP)],
                    osem.at[g],
                )

        superstep(0, 0, False)
        superstep(1, 1, False)

        def body(t, carry):
            superstep(2 * t, 0, True)
            superstep(2 * t + 1, 1, True)
            return carry

        lax.fori_loop(1, n_steps // 2, body, 0)

        pltpu.sync_copy(rows_v.at[0], out_hbm.at[pl.ds(base, GROUP)])

    return gather_kernel(weight, idx)


SPLIT = 2


def kernel(x, weight):
    idx = x.reshape(-1).astype(jnp.int32)
    b = idx.shape[0] * SPLIT
    dim = weight.shape[1] // SPLIT
    idx = (SPLIT * idx[:, None] + jnp.arange(SPLIT, dtype=jnp.int32)).reshape(-1)
    table = weight.reshape(weight.shape[0] * SPLIT, dim)
    pad = (-b) % (NW * GROUP * 4)
    if pad:
        idx = jnp.concatenate([idx, jnp.zeros((pad,), jnp.int32)])
    out = _gather_rows(table, idx, b + pad, dim)
    if pad:
        out = out[:b]
    return out.reshape(x.shape + (weight.shape[1],))

# --- scband reference (transcript-rebuilt; emitter-appended) ---
"""Pipeline reference for scband-embedding-21887153340994 (READ-ONLY COPY).

The authoritative reference and input builder live on the scoring server;
editing this copy changes nothing except your own understanding.
"""

import jax, jax.numpy as jnp
import numpy as np

NUM_EMBED = 1000000
EMBED_DIM = 32

def setup_inputs(seed: int = 0) -> dict:
    key = jax.random.key(seed)
    k1, k2 = jax.random.split(key)
    x = jax.random.randint(k1, (16384, 50), 0, NUM_EMBED, dtype=jnp.int64 if jax.config.jax_enable_x64 else jnp.int32)
    weight = jax.random.uniform(k2, (NUM_EMBED, EMBED_DIM), dtype=jnp.float32, minval=-1.0, maxval=1.0)
    return {"x": x, "weight": weight}

def reference(x, weight):
    # Embedding lookup: for each integer in x, return that row of weight.
    return jnp.take(weight, x, axis=0)

if __name__ == "__main__":
    import jax
    _d = setup_inputs()
    print(jax.jit(kernel)(*tuple(_d.values())))

</pallas_src>

<mosaic_0001>
#map = affine_map<(d0, d1) -> (0, 0)>
#map1 = affine_map<(d0, d1) -> (0)>
module attributes {stable_mosaic.version = 14 : i64} {
  func.func @gather_kernel(%arg0: i32, %arg1: i32, %arg2: memref<2000000x16xf32, #tpu.memory_space<hbm>>, %arg3: memref<1638400xi32, #tpu.memory_space<hbm>>, %arg4: memref<1638400x16xf32, #tpu.memory_space<hbm>>, %arg5: memref<51200xi32, #tpu.memory_space<vmem>>, %arg6: memref<2x1280x16xf32, #tpu.memory_space<vmem>>, %arg7: memref<!tpu.dma_semaphore, #tpu.memory_space<semaphore_mem>>, %arg8: memref<2x!tpu.dma_semaphore, #tpu.memory_space<semaphore_mem>>) attributes {dimension_semantics = [#tpu.dimension_semantics<core_parallel>, #tpu.dimension_semantics<subcore_parallel>], iteration_bounds = array<i64: 2, 16>, scalar_prefetch = 0 : i64, scratch_operands = 4 : i64, tpu.core_type = #tpu.core_type<sc_vector_subcore>, window_params = [{transform_indices = #map}, {transform_indices = #map1}, {transform_indices = #map}]} {
    %mul3A = arith.constant 2 : i32
    %mul3A_0 = arith.muli %arg1, %mul3A : i32
    %add3A = arith.addi %mul3A_0, %arg0 : i32
    %mul3A_1 = arith.constant 51200 : i32
    %mul3A_2 = arith.muli %add3A, %mul3A_1 : i32
    "tpu.region"() ({
      %run_scoped3A_205 = tpu.sem_alloc : memref<!tpu.dma_semaphore, #tpu.memory_space<semaphore_mem>>
      %dma_start3A_206 = tpu.memref_slice %arg3[%mul3A_2] : memref<1638400xi32, #tpu.memory_space<hbm>> -> memref<51200xi32, #tpu.memory_space<hbm>>
      %dma_start3A_207 = tpu.memref_slice %arg3[%mul3A_2] : memref<1638400xi32, #tpu.memory_space<hbm>> -> memref<51200xi32, #tpu.memory_space<hbm>>
      tpu.enqueue_dma source(%dma_start3A_207 : memref<51200xi32, #tpu.memory_space<hbm>>) target(%arg5 : memref<51200xi32, #tpu.memory_space<vmem>>) target_semaphore(%run_scoped3A_205 : memref<!tpu.dma_semaphore, #tpu.memory_space<semaphore_mem>>)
      %dma_wait3A_208 = tpu.memref_slice %arg3[%mul3A_2] : memref<1638400xi32, #tpu.memory_space<hbm>> -> memref<51200xi32, #tpu.memory_space<hbm>>
      %dma_wait3A_209 = tpu.memref_slice %arg3[%mul3A_2] : memref<1638400xi32, #tpu.memory_space<hbm>> -> memref<51200xi32, #tpu.memory_space<hbm>>
      tpu.wait_dma2 semaphore(%run_scoped3A_205 : memref<!tpu.dma_semaphore, #tpu.memory_space<semaphore_mem>>) src(%dma_wait3A_209 : memref<51200xi32, #tpu.memory_space<hbm>>) dst(%arg5 : memref<51200xi32, #tpu.memory_space<vmem>>)
      tpu.yield
    }) : () -> ()
    %multiple_of3A = arith.constant 0 : i32
    %multiple_of3A_3 = tpu.assume_multiple %multiple_of3A, 256 : i32
    %dma_start3A = arith.constant 0 : i32
    %dma_start3A_4 = arith.constant 0 : i32
    %dma_start3A_5 = arith.constant 0 : i32
    %dma_start3A_6 = tpu.memref_slice %arg6[%dma_start3A, %dma_start3A_4, %dma_start3A_5] : memref<2x1280x16xf32, #tpu.memory_space<vmem>> -> memref<1x256x16xf32, #tpu.memory_space<vmem>>
    %dma_start3A_7 = tpu.memref_squeeze %dma_start3A_6 : memref<1x256x16xf32, #tpu.memory_space<vmem>> -> memref<256x16xf32, #tpu.memory_space<vmem>>
    %dma_start3A_8 = tpu.memref_slice %arg5[%multiple_of3A_3] : memref<51200xi32, #tpu.memory_space<vmem>> -> memref<256xi32, #tpu.memory_space<vmem>>
    %dma_start3A_9 = arith.constant 0 : i32
    %dma_start3A_10 = arith.constant 0 : i32
    %dma_start3A_11 = tpu.memref_slice %arg2[%dma_start3A_9, %dma_start3A_10] : memref<2000000x16xf32, #tpu.memory_space<hbm>> -> memref<2000000x16xf32, #tpu.memory_space<hbm>>
    tpu.enqueue_indirect_dma source(%dma_start3A_11 : memref<2000000x16xf32, #tpu.memory_space<hbm>>) target(%dma_start3A_7 : memref<256x16xf32, #tpu.memory_space<vmem>>) offsets(%dma_start3A_8 : memref<256xi32, #tpu.memory_space<vmem>>) semaphore(%arg7 : memref<!tpu.dma_semaphore, #tpu.memory_space<semaphore_mem>>)
    %multiple_of3A_12 = arith.constant 256 : i32
    %multiple_of3A_13 = tpu.assume_multiple %multiple_of3A_12, 256 : i32
    %dma_start3A_14 = arith.constant 0 : i32
    %dma_start3A_15 = arith.constant 256 : i32
    %dma_start3A_16 = arith.constant 0 : i32
    %dma_start3A_17 = tpu.memref_slice %arg6[%dma_start3A_14, %dma_start3A_15, %dma_start3A_16] : memref<2x1280x16xf32, #tpu.memory_space<vmem>> -> memref<1x256x16xf32, #tpu.memory_space<vmem>>
    %dma_start3A_18 = tpu.memref_squeeze %dma_start3A_17 : memref<1x256x16xf32, #tpu.memory_space<vmem>> -> memref<256x16xf32, #tpu.memory_space<vmem>>
    %dma_start3A_19 = tpu.memref_slice %arg5[%multiple_of3A_13] : memref<51200xi32, #tpu.memory_space<vmem>> -> memref<256xi32, #tpu.memory_space<vmem>>
    %dma_start3A_20 = arith.constant 0 : i32
    %dma_start3A_21 = arith.constant 0 : i32
    %dma_start3A_22 = tpu.memref_slice %arg2[%dma_start3A_20, %dma_start3A_21] : memref<2000000x16xf32, #tpu.memory_space<hbm>> -> memref<2000000x16xf32, #tpu.memory_space<hbm>>
    tpu.enqueue_indirect_dma source(%dma_start3A_22 : memref<2000000x16xf32, #tpu.memory_space<hbm>>) target(%dma_start3A_18 : memref<256x16xf32, #tpu.memory_space<vmem>>) offsets(%dma_start3A_19 : memref<256xi32, #tpu.memory_space<vmem>>) semaphore(%arg7 : memref<!tpu.dma_semaphore, #tpu.memory_space<semaphore_mem>>)
    %multiple_of3A_23 = arith.constant 512 : i32
    %multiple_of3A_24 = tpu.assume_multiple %multiple_of3A_23, 256 : i32
    %dma_start3A_25 = arith.constant 0 : i32
    %dma_start3A_26 = arith.constant 512 : i32
    %dma_start3A_27 = arith.constant 0 : i32
    %dma_start3A_28 = tpu.memref_slice %arg6[%dma_start3A_25, %dma_start3A_26, %dma_start3A_27] : memref<2x1280x16xf32, #tpu.memory_space<vmem>> -> memref<1x256x16xf32, #tpu.memory_space<vmem>>
    %dma_start3A_29 = tpu.memref_squeeze %dma_start3A_28 : memref<1x256x16xf32, #tpu.memory_space<vmem>> -> memref<256x16xf32, #tpu.memory_space<vmem>>
    %dma_start3A_30 = tpu.memref_slice %arg5[%multiple_of3A_24] : memref<51200xi32, #tpu.memory_space<vmem>> -> memref<256xi32, #tpu.memory_space<vmem>>
    %dma_start3A_31 = arith.constant 0 : i32
    %dma_start3A_32 = arith.constant 0 : i32
    %dma_start3A_33 = tpu.memref_slice %arg2[%dma_start3A_31, %dma_start3A_32] : memref<2000000x16xf32, #tpu.memory_space<hbm>> -> memref<2000000x16xf32, #tpu.memory_space<hbm>>
    tpu.enqueue_indirect_dma source(%dma_start3A_33 : memref<2000000x16xf32, #tpu.memory_space<hbm>>) target(%dma_start3A_29 : memref<256x16xf32, #tpu.memory_space<vmem>>) offsets(%dma_start3A_30 : memref<256xi32, #tpu.memory_space<vmem>>) semaphore(%arg7 : memref<!tpu.dma_semaphore, #tpu.memory_space<semaphore_mem>>)
    %multiple_of3A_34 = arith.constant 768 : i32
    %multiple_of3A_35 = tpu.assume_multiple %multiple_of3A_34, 256 : i32
    %dma_start3A_36 = arith.constant 0 : i32
    %dma_start3A_37 = arith.constant 768 : i32
    %dma_start3A_38 = arith.constant 0 : i32
    %dma_start3A_39 = tpu.memref_slice %arg6[%dma_start3A_36, %dma_start3A_37, %dma_start3A_38] : memref<2x1280x16xf32, #tpu.memory_space<vmem>> -> memref<1x256x16xf32, #tpu.memory_space<vmem>>
    %dma_start3A_40 = tpu.memref_squeeze %dma_start3A_39 : memref<1x256x16xf32, #tpu.memory_space<vmem>> -> memref<256x16xf32, #tpu.memory_space<vmem>>
    %dma_start3A_41 = tpu.memref_slice %arg5[%multiple_of3A_35] : memref<51200xi32, #tpu.memory_space<vmem>> -> memref<256xi32, #tpu.memory_space<vmem>>
    %dma_start3A_42 = arith.constant 0 : i32
    %dma_start3A_43 = arith.constant 0 : i32
    %dma_start3A_44 = tpu.memref_slice %arg2[%dma_start3A_42, %dma_start3A_43] : memref<2000000x16xf32, #tpu.memory_space<hbm>> -> memref<2000000x16xf32, #tpu.memory_space<hbm>>
    tpu.enqueue_indirect_dma source(%dma_start3A_44 : memref<2000000x16xf32, #tpu.memory_space<hbm>>) target(%dma_start3A_40 : memref<256x16xf32, #tpu.memory_space<vmem>>) offsets(%dma_start3A_41 : memref<256xi32, #tpu.memory_space<vmem>>) semaphore(%arg7 : memref<!tpu.dma_semaphore, #tpu.memory_space<semaphore_mem>>)
    %multiple_of3A_45 = arith.constant 1024 : i32
    %multiple_of3A_46 = tpu.assume_multiple %multiple_of3A_45, 256 : i32
    %dma_start3A_47 = arith.constant 0 : i32
    %dma_start3A_48 = arith.constant 1024 : i32
    %dma_start3A_49 = arith.constant 0 : i32
    %dma_start3A_50 = tpu.memref_slice %arg6[%dma_start3A_47, %dma_start3A_48, %dma_start3A_49] : memref<2x1280x16xf32, #tpu.memory_space<vmem>> -> memref<1x256x16xf32, #tpu.memory_space<vmem>>
    %dma_start3A_51 = tpu.memref_squeeze %dma_start3A_50 : memref<1x256x16xf32, #tpu.memory_space<vmem>> -> memref<256x16xf32, #tpu.memory_space<vmem>>
    %dma_start3A_52 = tpu.memref_slice %arg5[%multiple_of3A_46] : memref<51200xi32, #tpu.memory_space<vmem>> -> memref<256xi32, #tpu.memory_space<vmem>>
    %dma_start3A_53 = arith.constant 0 : i32
    %dma_start3A_54 = arith.constant 0 : i32
    %dma_start3A_55 = tpu.memref_slice %arg2[%dma_start3A_53, %dma_start3A_54] : memref<2000000x16xf32, #tpu.memory_space<hbm>> -> memref<2000000x16xf32, #tpu.memory_space<hbm>>
    tpu.enqueue_indirect_dma source(%dma_start3A_55 : memref<2000000x16xf32, #tpu.memory_space<hbm>>) target(%dma_start3A_51 : memref<256x16xf32, #tpu.memory_space<vmem>>) offsets(%dma_start3A_52 : memref<256xi32, #tpu.memory_space<vmem>>) semaphore(%arg7 : memref<!tpu.dma_semaphore, #tpu.memory_space<semaphore_mem>>)
    %dma_wait3A = arith.constant 0 : i32
    %dma_wait3A_56 = arith.constant 0 : i32
    %dma_wait3A_57 = arith.constant 0 : i32
    %dma_wait3A_58 = tpu.memref_slice %arg6[%dma_wait3A, %dma_wait3A_56, %dma_wait3A_57] : memref<2x1280x16xf32, #tpu.memory_space<vmem>> -> memref<1x256x16xf32, #tpu.memory_space<vmem>>
    %dma_wait3A_59 = tpu.memref_squeeze %dma_wait3A_58 : memref<1x256x16xf32, #tpu.memory_space<vmem>> -> memref<256x16xf32, #tpu.memory_space<vmem>>
    %dma_wait3A_60 = tpu.memref_slice %arg5[%multiple_of3A_3] : memref<51200xi32, #tpu.memory_space<vmem>> -> memref<256xi32, #tpu.memory_space<vmem>>
    %dma_wait3A_61 = arith.constant 0 : i32
    %dma_wait3A_62 = arith.constant 0 : i32
    %dma_wait3A_63 = tpu.memref_slice %arg2[%dma_wait3A_61, %dma_wait3A_62] : memref<2000000x16xf32, #tpu.memory_space<hbm>> -> memref<2000000x16xf32, #tpu.memory_space<hbm>>
    tpu.wait_indirect_dma semaphore(%arg7 : memref<!tpu.dma_semaphore, #tpu.memory_space<semaphore_mem>>) src(%dma_wait3A_63 : memref<2000000x16xf32, #tpu.memory_space<hbm>>) dst(%dma_wait3A_59 : memref<256x16xf32, #tpu.memory_space<vmem>>)
    %dma_wait3A_64 = arith.constant 0 : i32
    %dma_wait3A_65 = arith.constant 256 : i32
    %dma_wait3A_66 = arith.constant 0 : i32
    %dma_wait3A_67 = tpu.memref_slice %arg6[%dma_wait3A_64, %dma_wait3A_65, %dma_wait3A_66] : memref<2x1280x16xf32, #tpu.memory_space<vmem>> -> memref<1x256x16xf32, #tpu.memory_space<vmem>>
    %dma_wait3A_68 = tpu.memref_squeeze %dma_wait3A_67 : memref<1x256x16xf32, #tpu.memory_space<vmem>> -> memref<256x16xf32, #tpu.memory_space<vmem>>
    %dma_wait3A_69 = tpu.memref_slice %arg5[%multiple_of3A_13] : memref<51200xi32, #tpu.memory_space<vmem>> -> memref<256xi32, #tpu.memory_space<vmem>>
    %dma_wait3A_70 = arith.constant 0 : i32
    %dma_wait3A_71 = arith.constant 0 : i32
    %dma_wait3A_72 = tpu.memref_slice %arg2[%dma_wait3A_70, %dma_wait3A_71] : memref<2000000x16xf32, #tpu.memory_space<hbm>> -> memref<2000000x16xf32, #tpu.memory_space<hbm>>
    tpu.wait_indirect_dma semaphore(%arg7 : memref<!tpu.dma_semaphore, #tpu.memory_space<semaphore_mem>>) src(%dma_wait3A_72 : memref<2000000x16xf32, #tpu.memory_space<hbm>>) dst(%dma_wait3A_68 : memref<256x16xf32, #tpu.memory_space<vmem>>)
    %dma_wait3A_73 = arith.constant 0 : i32
    %dma_wait3A_74 = arith.constant 512 : i32
    %dma_wait3A_75 = arith.constant 0 : i32
    %dma_wait3A_76 = tpu.memref_slice %arg6[%dma_wait3A_73, %dma_wait3A_74, %dma_wait3A_75] : memref<2x1280x16xf32, #tpu.memory_space<vmem>> -> memref<1x256x16xf32, #tpu.memory_space<vmem>>
    %dma_wait3A_77 = tpu.memref_squeeze %dma_wait3A_76 : memref<1x256x16xf32, #tpu.memory_space<vmem>> -> memref<256x16xf32, #tpu.memory_space<vmem>>
    %dma_wait3A_78 = tpu.memref_slice %arg5[%multiple_of3A_24] : memref<51200xi32, #tpu.memory_space<vmem>> -> memref<256xi32, #tpu.memory_space<vmem>>
    %dma_wait3A_79 = arith.constant 0 : i32
    %dma_wait3A_80 = arith.constant 0 : i32
    %dma_wait3A_81 = tpu.memref_slice %arg2[%dma_wait3A_79, %dma_wait3A_80] : memref<2000000x16xf32, #tpu.memory_space<hbm>> -> memref<2000000x16xf32, #tpu.memory_space<hbm>>
    tpu.wait_indirect_dma semaphore(%arg7 : memref<!tpu.dma_semaphore, #tpu.memory_space<semaphore_mem>>) src(%dma_wait3A_81 : memref<2000000x16xf32, #tpu.memory_space<hbm>>) dst(%dma_wait3A_77 : memref<256x16xf32, #tpu.memory_space<vmem>>)
    %dma_wait3A_82 = arith.constant 0 : i32
    %dma_wait3A_83 = arith.constant 768 : i32
    %dma_wait3A_84 = arith.constant 0 : i32
    %dma_wait3A_85 = tpu.memref_slice %arg6[%dma_wait3A_82, %dma_wait3A_83, %dma_wait3A_84] : memref<2x1280x16xf32, #tpu.memory_space<vmem>> -> memref<1x256x16xf32, #tpu.memory_space<vmem>>
    %dma_wait3A_86 = tpu.memref_squeeze %dma_wait3A_85 : memref<1x256x16xf32, #tpu.memory_space<vmem>> -> memref<256x16xf32, #tpu.memory_space<vmem>>
    %dma_wait3A_87 = tpu.memref_slice %arg5[%multiple_of3A_35] : memref<51200xi32, #tpu.memory_space<vmem>> -> memref<256xi32, #tpu.memory_space<vmem>>
    %dma_wait3A_88 = arith.constant 0 : i32
    %dma_wait3A_89 = arith.constant 0 : i32
    %dma_wait3A_90 = tpu.memref_slice %arg2[%dma_wait3A_88, %dma_wait3A_89] : memref<2000000x16xf32, #tpu.memory_space<hbm>> -> memref<2000000x16xf32, #tpu.memory_space<hbm>>
    tpu.wait_indirect_dma semaphore(%arg7 : memref<!tpu.dma_semaphore, #tpu.memory_space<semaphore_mem>>) src(%dma_wait3A_90 : memref<2000000x16xf32, #tpu.memory_space<hbm>>) dst(%dma_wait3A_86 : memref<256x16xf32, #tpu.memory_space<vmem>>)
    %dma_wait3A_91 = arith.constant 0 : i32
    %dma_wait3A_92 = arith.constant 1024 : i32
    %dma_wait3A_93 = arith.constant 0 : i32
    %dma_wait3A_94 = tpu.memref_slice %arg6[%dma_wait3A_91, %dma_wait3A_92, %dma_wait3A_93] : memref<2x1280x16xf32, #tpu.memory_space<vmem>> -> memref<1x256x16xf32, #tpu.memory_space<vmem>>
    %dma_wait3A_95 = tpu.memref_squeeze %dma_wait3A_94 : memref<1x256x16xf32, #tpu.memory_space<vmem>> -> memref<256x16xf32, #tpu.memory_space<vmem>>
    %dma_wait3A_96 = tpu.memref_slice %arg5[%multiple_of3A_46] : memref<51200xi32, #tpu.memory_space<vmem>> -> memref<256xi32, #tpu.memory_space<vmem>>
    %dma_wait3A_97 = arith.constant 0 : i32
    %dma_wait3A_98 = arith.constant 0 : i32
    %dma_wait3A_99 = tpu.memref_slice %arg2[%dma_wait3A_97, %dma_wait3A_98] : memref<2000000x16xf32, #tpu.memory_space<hbm>> -> memref<2000000x16xf32, #tpu.memory_space<hbm>>
    tpu.wait_indirect_dma semaphore(%arg7 : memref<!tpu.dma_semaphore, #tpu.memory_space<semaphore_mem>>) src(%dma_wait3A_99 : memref<2000000x16xf32, #tpu.memory_space<hbm>>) dst(%dma_wait3A_95 : memref<256x16xf32, #tpu.memory_space<vmem>>)
    %multiple_of3A_100 = arith.constant 1280 : i32
    %multiple_of3A_101 = tpu.assume_multiple %multiple_of3A_100, 256 : i32
    %dma_start3A_102 = arith.constant 1 : i32
    %dma_start3A_103 = arith.constant 0 : i32
    %dma_start3A_104 = arith.constant 0 : i32
    %dma_start3A_105 = tpu.memref_slice %arg6[%dma_start3A_102, %dma_start3A_103, %dma_start3A_104] : memref<2x1280x16xf32, #tpu.memory_space<vmem>> -> memref<1x256x16xf32, #tpu.memory_space<vmem>>
    %dma_start3A_106 = tpu.memref_squeeze %dma_start3A_105 : memref<1x256x16xf32, #tpu.memory_space<vmem>> -> memref<256x16xf32, #tpu.memory_space<vmem>>
    %dma_start3A_107 = tpu.memref_slice %arg5[%multiple_of3A_101] : memref<51200xi32, #tpu.memory_space<vmem>> -> memref<256xi32, #tpu.memory_space<vmem>>
    %dma_start3A_108 = arith.constant 0 : i32
    %dma_start3A_109 = arith.constant 0 : i32
    %dma_start3A_110 = tpu.memref_slice %arg2[%dma_start3A_108, %dma_start3A_109] : memref<2000000x16xf32, #tpu.memory_space<hbm>> -> memref<2000000x16xf32, #tpu.memory_space<hbm>>
    tpu.enqueue_indirect_dma source(%dma_start3A_110 : memref<2000000x16xf32, #tpu.memory_space<hbm>>) target(%dma_start3A_106 : memref<256x16xf32, #tpu.memory_space<vmem>>) offsets(%dma_start3A_107 : memref<256xi32, #tpu.memory_space<vmem>>) semaphore(%arg7 : memref<!tpu.dma_semaphore, #tpu.memory_space<semaphore_mem>>)
    %multiple_of3A_111 = arith.constant 1536 : i32
    %multiple_of3A_112 = tpu.assume_multiple %multiple_of3A_111, 256 : i32
    %dma_start3A_113 = arith.constant 1 : i32
    %dma_start3A_114 = arith.constant 256 : i32
    %dma_start3A_115 = arith.constant 0 : i32
    %dma_start3A_116 = tpu.memref_slice %arg6[%dma_start3A_113, %dma_start3A_114, %dma_start3A_115] : memref<2x1280x16xf32, #tpu.memory_space<vmem>> -> memref<1x256x16xf32, #tpu.memory_space<vmem>>
    %dma_start3A_117 = tpu.memref_squeeze %dma_start3A_116 : memref<1x256x16xf32, #tpu.memory_space<vmem>> -> memref<256x16xf32, #tpu.memory_space<vmem>>
    %dma_start3A_118 = tpu.memref_slice %arg5[%multiple_of3A_112] : memref<51200xi32, #tpu.memory_space<vmem>> -> memref<256xi32, #tpu.memory_space<vmem>>
    %dma_start3A_119 = arith.constant 0 : i32
    %dma_start3A_120 = arith.constant 0 : i32
    %dma_start3A_121 = tpu.memref_slice %arg2[%dma_start3A_119, %dma_start3A_120] : memref<2000000x16xf32, #tpu.memory_space<hbm>> -> memref<2000000x16xf32, #tpu.memory_space<hbm>>
    tpu.enqueue_indirect_dma source(%dma_start3A_121 : memref<2000000x16xf32, #tpu.memory_space<hbm>>) target(%dma_start3A_117 : memref<256x16xf32, #tpu.memory_space<vmem>>) offsets(%dma_start3A_118 : memref<256xi32, #tpu.memory_space<vmem>>) semaphore(%arg7 : memref<!tpu.dma_semaphore, #tpu.memory_space<semaphore_mem>>)
    %multiple_of3A_122 = arith.constant 1792 : i32
    %multiple_of3A_123 = tpu.assume_multiple %multiple_of3A_122, 256 : i32
    %dma_start3A_124 = arith.constant 1 : i32
    %dma_start3A_125 = arith.constant 512 : i32
    %dma_start3A_126 = arith.constant 0 : i32
    %dma_start3A_127 = tpu.memref_slice %arg6[%dma_start3A_124, %dma_start3A_125, %dma_start3A_126] : memref<2x1280x16xf32, #tpu.memory_space<vmem>> -> memref<1x256x16xf32, #tpu.memory_space<vmem>>
    %dma_start3A_128 = tpu.memref_squeeze %dma_start3A_127 : memref<1x256x16xf32, #tpu.memory_space<vmem>> -> memref<256x16xf32, #tpu.memory_space<vmem>>
    %dma_start3A_129 = tpu.memref_slice %arg5[%multiple_of3A_123] : memref<51200xi32, #tpu.memory_space<vmem>> -> memref<256xi32, #tpu.memory_space<vmem>>
    %dma_start3A_130 = arith.constant 0 : i32
    %dma_start3A_131 = arith.constant 0 : i32
    %dma_start3A_132 = tpu.memref_slice %arg2[%dma_start3A_130, %dma_start3A_131] : memref<2000000x16xf32, #tpu.memory_space<hbm>> -> memref<2000000x16xf32, #tpu.memory_space<hbm>>
    tpu.enqueue_indirect_dma source(%dma_start3A_132 : memref<2000000x16xf32, #tpu.memory_space<hbm>>) target(%dma_start3A_128 : memref<256x16xf32, #tpu.memory_space<vmem>>) offsets(%dma_start3A_129 : memref<256xi32, #tpu.memory_space<vmem>>) semaphore(%arg7 : memref<!tpu.dma_semaphore, #tpu.memory_space<semaphore_mem>>)
    %multiple_of3A_133 = arith.constant 2048 : i32
    %multiple_of3A_134 = tpu.assume_multiple %multiple_of3A_133, 256 : i32
    %dma_start3A_135 = arith.constant 1 : i32
    %dma_start3A_136 = arith.constant 768 : i32
    %dma_start3A_137 = arith.constant 0 : i32
    %dma_start3A_138 = tpu.memref_slice %arg6[%dma_start3A_135, %dma_start3A_136, %dma_start3A_137] : memref<2x1280x16xf32, #tpu.memory_space<vmem>> -> memref<1x256x16xf32, #tpu.memory_space<vmem>>
    %dma_start3A_139 = tpu.memref_squeeze %dma_start3A_138 : memref<1x256x16xf32, #tpu.memory_space<vmem>> -> memref<256x16xf32, #tpu.memory_space<vmem>>
    %dma_start3A_140 = tpu.memref_slice %arg5[%multiple_of3A_134] : memref<51200xi32, #tpu.memory_space<vmem>> -> memref<256xi32, #tpu.memory_space<vmem>>
    %dma_start3A_141 = arith.constant 0 : i32
    %dma_start3A_142 = arith.constant 0 : i32
    %dma_start3A_143 = tpu.memref_slice %arg2[%dma_start3A_141, %dma_start3A_142] : memref<2000000x16xf32, #tpu.memory_space<hbm>> -> memref<2000000x16xf32, #tpu.memory_space<hbm>>
    tpu.enqueue_indirect_dma source(%dma_start3A_143 : memref<2000000x16xf32, #tpu.memory_space<hbm>>) target(%dma_start3A_139 : memref<256x16xf32, #tpu.memory_space<vmem>>) offsets(%dma_start3A_140 : memref<256xi32, #tpu.memory_space<vmem>>) semaphore(%arg7 : memref<!tpu.dma_semaphore, #tpu.memory_space<semaphore_mem>>)
    %multiple_of3A_144 = arith.constant 2304 : i32
    %multiple_of3A_145 = tpu.assume_multiple %multiple_of3A_144, 256 : i32
    %dma_start3A_146 = arith.constant 1 : i32
    %dma_start3A_147 = arith.constant 1024 : i32
    %dma_start3A_148 = arith.constant 0 : i32
    %dma_start3A_149 = tpu.memref_slice %arg6[%dma_start3A_146, %dma_start3A_147, %dma_start3A_148] : memref<2x1280x16xf32, #tpu.memory_space<vmem>> -> memref<1x256x16xf32, #tpu.memory_space<vmem>>
    %dma_start3A_150 = tpu.memref_squeeze %dma_start3A_149 : memref<1x256x16xf32, #tpu.memory_space<vmem>> -> memref<256x16xf32, #tpu.memory_space<vmem>>
    %dma_start3A_151 = tpu.memref_slice %arg5[%multiple_of3A_145] : memref<51200xi32, #tpu.memory_space<vmem>> -> memref<256xi32, #tpu.memory_space<vmem>>
    %dma_start3A_152 = arith.constant 0 : i32
    %dma_start3A_153 = arith.constant 0 : i32
    %dma_start3A_154 = tpu.memref_slice %arg2[%dma_start3A_152, %dma_start3A_153] : memref<2000000x16xf32, #tpu.memory_space<hbm>> -> memref<2000000x16xf32, #tpu.memory_space<hbm>>
    tpu.enqueue_indirect_dma source(%dma_start3A_154 : memref<2000000x16xf32, #tpu.memory_space<hbm>>) target(%dma_start3A_150 : memref<256x16xf32, #tpu.memory_space<vmem>>) offsets(%dma_start3A_151 : memref<256xi32, #tpu.memory_space<vmem>>) semaphore(%arg7 : memref<!tpu.dma_semaphore, #tpu.memory_space<semaphore_mem>>)
    %dma_wait3A_155 = arith.constant 1 : i32
    %dma_wait3A_156 = arith.constant 0 : i32
    %dma_wait3A_157 = arith.constant 0 : i32
    %dma_wait3A_158 = tpu.memref_slice %arg6[%dma_wait3A_155, %dma_wait3A_156, %dma_wait3A_157] : memref<2x1280x16xf32, #tpu.memory_space<vmem>> -> memref<1x256x16xf32, #tpu.memory_space<vmem>>
    %dma_wait3A_159 = tpu.memref_squeeze %dma_wait3A_158 : memref<1x256x16xf32, #tpu.memory_space<vmem>> -> memref<256x16xf32, #tpu.memory_space<vmem>>
    %dma_wait3A_160 = tpu.memref_slice %arg5[%multiple_of3A_101] : memref<51200xi32, #tpu.memory_space<vmem>> -> memref<256xi32, #tpu.memory_space<vmem>>
    %dma_wait3A_161 = arith.constant 0 : i32
    %dma_wait3A_162 = arith.constant 0 : i32
    %dma_wait3A_163 = tpu.memref_slice %arg2[%dma_wait3A_161, %dma_wait3A_162] : memref<2000000x16xf32, #tpu.memory_space<hbm>> -> memref<2000000x16xf32, #tpu.memory_space<hbm>>
    tpu.wait_indirect_dma semaphore(%arg7 : memref<!tpu.dma_semaphore, #tpu.memory_space<semaphore_mem>>) src(%dma_wait3A_163 : memref<2000000x16xf32, #tpu.memory_space<hbm>>) dst(%dma_wait3A_159 : memref<256x16xf32, #tpu.memory_space<vmem>>)
    %dma_wait3A_164 = arith.constant 1 : i32
    %dma_wait3A_165 = arith.constant 256 : i32
    %dma_wait3A_166 = arith.constant 0 : i32
    %dma_wait3A_167 = tpu.memref_slice %arg6[%dma_wait3A_164, %dma_wait3A_165, %dma_wait3A_166] : memref<2x1280x16xf32, #tpu.memory_space<vmem>> -> memref<1x256x16xf32, #tpu.memory_space<vmem>>
    %dma_wait3A_168 = tpu.memref_squeeze %dma_wait3A_167 : memref<1x256x16xf32, #tpu.memory_space<vmem>> -> memref<256x16xf32, #tpu.memory_space<vmem>>
    %dma_wait3A_169 = tpu.memref_slice %arg5[%multiple_of3A_112] : memref<51200xi32, #tpu.memory_space<vmem>> -> memref<256xi32, #tpu.memory_space<vmem>>
    %dma_wait3A_170 = arith.constant 0 : i32
    %dma_wait3A_171 = arith.constant 0 : i32
    %dma_wait3A_172 = tpu.memref_slice %arg2[%dma_wait3A_170, %dma_wait3A_171] : memref<2000000x16xf32, #tpu.memory_space<hbm>> -> memref<2000000x16xf32, #tpu.memory_space<hbm>>
    tpu.wait_indirect_dma semaphore(%arg7 : memref<!tpu.dma_semaphore, #tpu.memory_space<semaphore_mem>>) src(%dma_wait3A_172 : memref<2000000x16xf32, #tpu.memory_space<hbm>>) dst(%dma_wait3A_168 : memref<256x16xf32, #tpu.memory_space<vmem>>)
    %dma_wait3A_173 = arith.constant 1 : i32
    %dma_wait3A_174 = arith.constant 512 : i32
    %dma_wait3A_175 = arith.constant 0 : i32
    %dma_wait3A_176 = tpu.memref_slice %arg6[%dma_wait3A_173, %dma_wait3A_174, %dma_wait3A_175] : memref<2x1280x16xf32, #tpu.memory_space<vmem>> -> memref<1x256x16xf32, #tpu.memory_space<vmem>>
    %dma_wait3A_177 = tpu.memref_squeeze %dma_wait3A_176 : memref<1x256x16xf32, #tpu.memory_space<vmem>> -> memref<256x16xf32, #tpu.memory_space<vmem>>
    %dma_wait3A_178 = tpu.memref_slice %arg5[%multiple_of3A_123] : memref<51200xi32, #tpu.memory_space<vmem>> -> memref<256xi32, #tpu.memory_space<vmem>>
    %dma_wait3A_179 = arith.constant 0 : i32
    %dma_wait3A_180 = arith.constant 0 : i32
    %dma_wait3A_181 = tpu.memref_slice %arg2[%dma_wait3A_179, %dma_wait3A_180] : memref<2000000x16xf32, #tpu.memory_space<hbm>> -> memref<2000000x16xf32, #tpu.memory_space<hbm>>
    tpu.wait_indirect_dma semaphore(%arg7 : memref<!tpu.dma_semaphore, #tpu.memory_space<semaphore_mem>>) src(%dma_wait3A_181 : memref<2000000x16xf32, #tpu.memory_space<hbm>>) dst(%dma_wait3A_177 : memref<256x16xf32, #tpu.memory_space<vmem>>)
    %dma_wait3A_182 = arith.constant 1 : i32
    %dma_wait3A_183 = arith.constant 768 : i32
    %dma_wait3A_184 = arith.constant 0 : i32
    %dma_wait3A_185 = tpu.memref_slice %arg6[%dma_wait3A_182, %dma_wait3A_183, %dma_wait3A_184] : memref<2x1280x16xf32, #tpu.memory_space<vmem>> -> memref<1x256x16xf32, #tpu.memory_space<vmem>>
    %dma_wait3A_186 = tpu.memref_squeeze %dma_wait3A_185 : memref<1x256x16xf32, #tpu.memory_space<vmem>> -> memref<256x16xf32, #tpu.memory_space<vmem>>
    %dma_wait3A_187 = tpu.memref_slice %arg5[%multiple_of3A_134] : memref<51200xi32, #tpu.memory_space<vmem>> -> memref<256xi32, #tpu.memory_space<vmem>>
    %dma_wait3A_188 = arith.constant 0 : i32
    %dma_wait3A_189 = arith.constant 0 : i32
    %dma_wait3A_190 = tpu.memref_slice %arg2[%dma_wait3A_188, %dma_wait3A_189] : memref<2000000x16xf32, #tpu.memory_space<hbm>> -> memref<2000000x16xf32, #tpu.memory_space<hbm>>
    tpu.wait_indirect_dma semaphore(%arg7 : memref<!tpu.dma_semaphore, #tpu.memory_space<semaphore_mem>>) src(%dma_wait3A_190 : memref<2000000x16xf32, #tpu.memory_space<hbm>>) dst(%dma_wait3A_186 : memref<256x16xf32, #tpu.memory_space<vmem>>)
    %dma_wait3A_191 = arith.constant 1 : i32
    %dma_wait3A_192 = arith.constant 1024 : i32
    %dma_wait3A_193 = arith.constant 0 : i32
    %dma_wait3A_194 = tpu.memref_slice %arg6[%dma_wait3A_191, %dma_wait3A_192, %dma_wait3A_193] : memref<2x1280x16xf32, #tpu.memory_space<vmem>> -> memref<1x256x16xf32, #tpu.memory_space<vmem>>
    %dma_wait3A_195 = tpu.memref_squeeze %dma_wait3A_194 : memref<1x256x16xf32, #tpu.memory_space<vmem>> -> memref<256x16xf32, #tpu.memory_space<vmem>>
    %dma_wait3A_196 = tpu.memref_slice %arg5[%multiple_of3A_145] : memref<51200xi32, #tpu.memory_space<vmem>> -> memref<256xi32, #tpu.memory_space<vmem>>
    %dma_wait3A_197 = arith.constant 0 : i32
    %dma_wait3A_198 = arith.constant 0 : i32
    %dma_wait3A_199 = tpu.memref_slice %arg2[%dma_wait3A_197, %dma_wait3A_198] : memref<2000000x16xf32, #tpu.memory_space<hbm>> -> memref<2000000x16xf32, #tpu.memory_space<hbm>>
    tpu.wait_indirect_dma semaphore(%arg7 : memref<!tpu.dma_semaphore, #tpu.memory_space<semaphore_mem>>) src(%dma_wait3A_199 : memref<2000000x16xf32, #tpu.memory_space<hbm>>) dst(%dma_wait3A_195 : memref<256x16xf32, #tpu.memory_space<vmem>>)
    %scan3A = arith.constant 0 : i32
    %scan3A_200 = arith.constant 1 : i32
    %scan3A_201 = arith.constant 19 : i32
    %scan3A_202 = arith.addi %scan3A_200, %scan3A_201 : i32
    %scan3A_203 = arith.constant 1 : i32
    scf.for %scan3A_205 = %scan3A_200 to %scan3A_202 step %scan3A_203  : i32 {
      %mul3A_206 = arith.constant 2 : i32
      %mul3A_207 = arith.muli %mul3A_206, %scan3A_205 : i32
      %mul3A_208 = arith.constant 1280 : i32
      %mul3A_209 = arith.muli %mul3A_207, %mul3A_208 : i32
      %add3A_210 = arith.constant 0 : i32
      %add3A_211 = arith.addi %mul3A_209, %add3A_210 : i32
      %multiple_of3A_212 = tpu.assume_multiple %add3A_211, 256 : i32
      %dma_start3A_213 = arith.constant 0 : i32
      %dma_start3A_214 = arith.constant 0 : i32
      %dma_start3A_215 = arith.constant 0 : i32
      %dma_start3A_216 = tpu.memref_slice %arg6[%dma_start3A_213, %dma_start3A_214, %dma_start3A_215] : memref<2x1280x16xf32, #tpu.memory_space<vmem>> -> memref<1x256x16xf32, #tpu.memory_space<vmem>>
      %dma_start3A_217 = tpu.memref_squeeze %dma_start3A_216 : memref<1x256x16xf32, #tpu.memory_space<vmem>> -> memref<256x16xf32, #tpu.memory_space<vmem>>
      %dma_start3A_218 = tpu.memref_slice %arg5[%multiple_of3A_212] : memref<51200xi32, #tpu.memory_space<vmem>> -> memref<256xi32, #tpu.memory_space<vmem>>
      %dma_start3A_219 = arith.constant 0 : i32
      %dma_start3A_220 = arith.constant 0 : i32
      %dma_start3A_221 = tpu.memref_slice %arg2[%dma_start3A_219, %dma_start3A_220] : memref<2000000x16xf32, #tpu.memory_space<hbm>> -> memref<2000000x16xf32, #tpu.memory_space<hbm>>
      tpu.enqueue_indirect_dma source(%dma_start3A_221 : memref<2000000x16xf32, #tpu.memory_space<hbm>>) target(%dma_start3A_217 : memref<256x16xf32, #tpu.memory_space<vmem>>) offsets(%dma_start3A_218 : memref<256xi32, #tpu.memory_space<vmem>>) semaphore(%arg7 : memref<!tpu.dma_semaphore, #tpu.memory_space<semaphore_mem>>)
      %mul3A_222 = arith.constant 1280 : i32
      %mul3A_223 = arith.muli %mul3A_207, %mul3A_222 : i32
      %add3A_224 = arith.constant 256 : i32
      %add3A_225 = arith.addi %mul3A_223, %add3A_224 : i32
      %multiple_of3A_226 = tpu.assume_multiple %add3A_225, 256 : i32
      %dma_start3A_227 = arith.constant 0 : i32
      %dma_start3A_228 = arith.constant 256 : i32
      %dma_start3A_229 = arith.constant 0 : i32
      %dma_start3A_230 = tpu.memref_slice %arg6[%dma_start3A_227, %dma_start3A_228, %dma_start3A_229] : memref<2x1280x16xf32, #tpu.memory_space<vmem>> -> memref<1x256x16xf32, #tpu.memory_space<vmem>>
      %dma_start3A_231 = tpu.memref_squeeze %dma_start3A_230 : memref<1x256x16xf32, #tpu.memory_space<vmem>> -> memref<256x16xf32, #tpu.memory_space<vmem>>
      %dma_start3A_232 = tpu.memref_slice %arg5[%multiple_of3A_226] : memref<51200xi32, #tpu.memory_space<vmem>> -> memref<256xi32, #tpu.memory_space<vmem>>
      %dma_start3A_233 = arith.constant 0 : i32
      %dma_start3A_234 = arith.constant 0 : i32
      %dma_start3A_235 = tpu.memref_slice %arg2[%dma_start3A_233, %dma_start3A_234] : memref<2000000x16xf32, #tpu.memory_space<hbm>> -> memref<2000000x16xf32, #tpu.memory_space<hbm>>
      tpu.enqueue_indirect_dma source(%dma_start3A_235 : memref<2000000x16xf32, #tpu.memory_space<hbm>>) target(%dma_start3A_231 : memref<256x16xf32, #tpu.memory_space<vmem>>) offsets(%dma_start3A_232 : memref<256xi32, #tpu.memory_space<vmem>>) semaphore(%arg7 : memref<!tpu.dma_semaphore, #tpu.memory_space<semaphore_mem>>)
      %mul3A_236 = arith.constant 1280 : i32
      %mul3A_237 = arith.muli %mul3A_207, %mul3A_236 : i32
      %add3A_238 = arith.constant 512 : i32
      %add3A_239 = arith.addi %mul3A_237, %add3A_238 : i32
      %multiple_of3A_240 = tpu.assume_multiple %add3A_239, 256 : i32
      %dma_start3A_241 = arith.constant 0 : i32
      %dma_start3A_242 = arith.constant 512 : i32
      %dma_start3A_243 = arith.constant 0 : i32
      %dma_start3A_244 = tpu.memref_slice %arg6[%dma_start3A_241, %dma_start3A_242, %dma_start3A_243] : memref<2x1280x16xf32, #tpu.memory_space<vmem>> -> memref<1x256x16xf32, #tpu.memory_space<vmem>>
      %dma_start3A_245 = tpu.memref_squeeze %dma_start3A_244 : memref<1x256x16xf32, #tpu.memory_space<vmem>> -> memref<256x16xf32, #tpu.memory_space<vmem>>
      %dma_start3A_246 = tpu.memref_slice %arg5[%multiple_of3A_240] : memref<51200xi32, #tpu.memory_space<vmem>> -> memref<256xi32, #tpu.memory_space<vmem>>
      %dma_start3A_247 = arith.constant 0 : i32
      %dma_start3A_248 = arith.constant 0 : i32
      %dma_start3A_249 = tpu.memref_slice %arg2[%dma_start3A_247, %dma_start3A_248] : memref<2000000x16xf32, #tpu.memory_space<hbm>> -> memref<2000000x16xf32, #tpu.memory_space<hbm>>
      tpu.enqueue_indirect_dma source(%dma_start3A_249 : memref<2000000x16xf32, #tpu.memory_space<hbm>>) target(%dma_start3A_245 : memref<256x16xf32, #tpu.memory_space<vmem>>) offsets(%dma_start3A_246 : memref<256xi32, #tpu.memory_space<vmem>>) semaphore(%arg7 : memref<!tpu.dma_semaphore, #tpu.memory_space<semaphore_mem>>)
      %mul3A_250 = arith.constant 1280 : i32
      %mul3A_251 = arith.muli %mul3A_207, %mul3A_250 : i32
      %add3A_252 = arith.constant 768 : i32
      %add3A_253 = arith.addi %mul3A_251, %add3A_252 : i32
      %multiple_of3A_254 = tpu.assume_multiple %add3A_253, 256 : i32
      %dma_start3A_255 = arith.constant 0 : i32
      %dma_start3A_256 = arith.constant 768 : i32
      %dma_start3A_257 = arith.constant 0 : i32
      %dma_start3A_258 = tpu.memref_slice %arg6[%dma_start3A_255, %dma_start3A_256, %dma_start3A_257] : memref<2x1280x16xf32, #tpu.memory_space<vmem>> -> memref<1x256x16xf32, #tpu.memory_space<vmem>>
      %dma_start3A_259 = tpu.memref_squeeze %dma_start3A_258 : memref<1x256x16xf32, #tpu.memory_space<vmem>> -> memref<256x16xf32, #tpu.memory_space<vmem>>
      %dma_start3A_260 = tpu.memref_slice %arg5[%multiple_of3A_254] : memref<51200xi32, #tpu.memory_space<vmem>> -> memref<256xi32, #tpu.memory_space<vmem>>
      %dma_start3A_261 = arith.constant 0 : i32
      %dma_start3A_262 = arith.constant 0 : i32
      %dma_start3A_263 = tpu.memref_slice %arg2[%dma_start3A_261, %dma_start3A_262] : memref<2000000x16xf32, #tpu.memory_space<hbm>> -> memref<2000000x16xf32, #tpu.memory_space<hbm>>
      tpu.enqueue_indirect_dma source(%dma_start3A_263 : memref<2000000x16xf32, #tpu.memory_space<hbm>>) target(%dma_start3A_259 : memref<256x16xf32, #tpu.memory_space<vmem>>) offsets(%dma_start3A_260 : memref<256xi32, #tpu.memory_space<vmem>>) semaphore(%arg7 : memref<!tpu.dma_semaphore, #tpu.memory_space<semaphore_mem>>)
      %mul3A_264 = arith.constant 1280 : i32
      %mul3A_265 = arith.muli %mul3A_207, %mul3A_264 : i32
      %add3A_266 = arith.constant 1024 : i32
      %add3A_267 = arith.addi %mul3A_265, %add3A_266 : i32
      %multiple_of3A_268 = tpu.assume_multiple %add3A_267, 256 : i32
      %dma_start3A_269 = arith.constant 0 : i32
      %dma_start3A_270 = arith.constant 1024 : i32
      %dma_start3A_271 = arith.constant 0 : i32
      %dma_start3A_272 = tpu.memref_slice %arg6[%dma_start3A_269, %dma_start3A_270, %dma_start3A_271] : memref<2x1280x16xf32, #tpu.memory_space<vmem>> -> memref<1x256x16xf32, #tpu.memory_space<vmem>>
      %dma_start3A_273 = tpu.memref_squeeze %dma_start3A_272 : memref<1x256x16xf32, #tpu.memory_space<vmem>> -> memref<256x16xf32, #tpu.memory_space<vmem>>
      %dma_start3A_274 = tpu.memref_slice %arg5[%multiple_of3A_268] : memref<51200xi32, #tpu.memory_space<vmem>> -> memref<256xi32, #tpu.memory_space<vmem>>
      %dma_start3A_275 = arith.constant 0 : i32
      %dma_start3A_276 = arith.constant 0 : i32
      %dma_start3A_277 = tpu.memref_slice %arg2[%dma_start3A_275, %dma_start3A_276] : memref<2000000x16xf32, #tpu.memory_space<hbm>> -> memref<2000000x16xf32, #tpu.memory_space<hbm>>
      tpu.enqueue_indirect_dma source(%dma_start3A_277 : memref<2000000x16xf32, #tpu.memory_space<hbm>>) target(%dma_start3A_273 : memref<256x16xf32, #tpu.memory_space<vmem>>) offsets(%dma_start3A_274 : memref<256xi32, #tpu.memory_space<vmem>>) semaphore(%arg7 : memref<!tpu.dma_semaphore, #tpu.memory_space<semaphore_mem>>)
      %dma_wait3A_278 = arith.constant 0 : i32
      %dma_wait3A_279 = arith.constant 0 : i32
      %dma_wait3A_280 = arith.constant 0 : i32
      %dma_wait3A_281 = tpu.memref_slice %arg6[%dma_wait3A_278, %dma_wait3A_279, %dma_wait3A_280] : memref<2x1280x16xf32, #tpu.memory_space<vmem>> -> memref<1x256x16xf32, #tpu.memory_space<vmem>>
      %dma_wait3A_282 = tpu.memref_squeeze %dma_wait3A_281 : memref<1x256x16xf32, #tpu.memory_space<vmem>> -> memref<256x16xf32, #tpu.memory_space<vmem>>
      %dma_wait3A_283 = tpu.memref_slice %arg5[%multiple_of3A_212] : memref<51200xi32, #tpu.memory_space<vmem>> -> memref<256xi32, #tpu.memory_space<vmem>>
      %dma_wait3A_284 = arith.constant 0 : i32
      %dma_wait3A_285 = arith.constant 0 : i32
      %dma_wait3A_286 = tpu.memref_slice %arg2[%dma_wait3A_284, %dma_wait3A_285] : memref<2000000x16xf32, #tpu.memory_space<hbm>> -> memref<2000000x16xf32, #tpu.memory_space<hbm>>
      tpu.wait_indirect_dma semaphore(%arg7 : memref<!tpu.dma_semaphore, #tpu.memory_space<semaphore_mem>>) src(%dma_wait3A_286 : memref<2000000x16xf32, #tpu.memory_space<hbm>>) dst(%dma_wait3A_282 : memref<256x16xf32, #tpu.memory_space<vmem>>)
      %dma_wait3A_287 = arith.constant 0 : i32
      %dma_wait3A_288 = arith.constant 256 : i32
      %dma_wait3A_289 = arith.constant 0 : i32
      %dma_wait3A_290 = tpu.memref_slice %arg6[%dma_wait3A_287, %dma_wait3A_288, %dma_wait3A_289] : memref<2x1280x16xf32, #tpu.memory_space<vmem>> -> memref<1x256x16xf32, #tpu.memory_space<vmem>>
      %dma_wait3A_291 = tpu.memref_squeeze %dma_wait3A_290 : memref<1x256x16xf32, #tpu.memory_space<vmem>> -> memref<256x16xf32, #tpu.memory_space<vmem>>
      %dma_wait3A_292 = tpu.memref_slice %arg5[%multiple_of3A_226] : memref<51200xi32, #tpu.memory_space<vmem>> -> memref<256xi32, #tpu.memory_space<vmem>>
      %dma_wait3A_293 = arith.constant 0 : i32
      %dma_wait3A_294 = arith.constant 0 : i32
      %dma_wait3A_295 = tpu.memref_slice %arg2[%dma_wait3A_293, %dma_wait3A_294] : memref<2000000x16xf32, #tpu.memory_space<hbm>> -> memref<2000000x16xf32, #tpu.memory_space<hbm>>
      tpu.wait_indirect_dma semaphore(%arg7 : memref<!tpu.dma_semaphore, #tpu.memory_space<semaphore_mem>>) src(%dma_wait3A_295 : memref<2000000x16xf32, #tpu.memory_space<hbm>>) dst(%dma_wait3A_291 : memref<256x16xf32, #tpu.memory_space<vmem>>)
      %dma_wait3A_296 = arith.constant 0 : i32
      %dma_wait3A_297 = arith.constant 512 : i32
      %dma_wait3A_298 = arith.constant 0 : i32
      %dma_wait3A_299 = tpu.memref_slice %arg6[%dma_wait3A_296, %dma_wait3A_297, %dma_wait3A_298] : memref<2x1280x16xf32, #tpu.memory_space<vmem>> -> memref<1x256x16xf32, #tpu.memory_space<vmem>>
      %dma_wait3A_300 = tpu.memref_squeeze %dma_wait3A_299 : memref<1x256x16xf32, #tpu.memory_space<vmem>> -> memref<256x16xf32, #tpu.memory_space<vmem>>
      %dma_wait3A_301 = tpu.memref_slice %arg5[%multiple_of3A_240] : memref<51200xi32, #tpu.memory_space<vmem>> -> memref<256xi32, #tpu.memory_space<vmem>>
      %dma_wait3A_302 = arith.constant 0 : i32
      %dma_wait3A_303 = arith.constant 0 : i32
      %dma_wait3A_304 = tpu.memref_slice %arg2[%dma_wait3A_302, %dma_wait3A_303] : memref<2000000x16xf32, #tpu.memory_space<hbm>> -> memref<2000000x16xf32, #tpu.memory_space<hbm>>
      tpu.wait_indirect_dma semaphore(%arg7 : memref<!tpu.dma_semaphore, #tpu.memory_space<semaphore_mem>>) src(%dma_wait3A_304 : memref<2000000x16xf32, #tpu.memory_space<hbm>>) dst(%dma_wait3A_300 : memref<256x16xf32, #tpu.memory_space<vmem>>)
      %dma_wait3A_305 = arith.constant 0 : i32
      %dma_wait3A_306 = arith.constant 768 : i32
      %dma_wait3A_307 = arith.constant 0 : i32
      %dma_wait3A_308 = tpu.memref_slice %arg6[%dma_wait3A_305, %dma_wait3A_306, %dma_wait3A_307] : memref<2x1280x16xf32, #tpu.memory_space<vmem>> -> memref<1x256x16xf32, #tpu.memory_space<vmem>>
      %dma_wait3A_309 = tpu.memref_squeeze %dma_wait3A_308 : memref<1x256x16xf32, #tpu.memory_space<vmem>> -> memref<256x16xf32, #tpu.memory_space<vmem>>
      %dma_wait3A_310 = tpu.memref_slice %arg5[%multiple_of3A_254] : memref<51200xi32, #tpu.memory_space<vmem>> -> memref<256xi32, #tpu.memory_space<vmem>>
      %dma_wait3A_311 = arith.constant 0 : i32
      %dma_wait3A_312 = arith.constant 0 : i32
      %dma_wait3A_313 = tpu.memref_slice %arg2[%dma_wait3A_311, %dma_wait3A_312] : memref<2000000x16xf32, #tpu.memory_space<hbm>> -> memref<2000000x16xf32, #tpu.memory_space<hbm>>
      tpu.wait_indirect_dma semaphore(%arg7 : memref<!tpu.dma_semaphore, #tpu.memory_space<semaphore_mem>>) src(%dma_wait3A_313 : memref<2000000x16xf32, #tpu.memory_space<hbm>>) dst(%dma_wait3A_309 : memref<256x16xf32, #tpu.memory_space<vmem>>)
      %dma_wait3A_314 = arith.constant 0 : i32
      %dma_wait3A_315 = arith.constant 1024 : i32
      %dma_wait3A_316 = arith.constant 0 : i32
      %dma_wait3A_317 = tpu.memref_slice %arg6[%dma_wait3A_314, %dma_wait3A_315, %dma_wait3A_316] : memref<2x1280x16xf32, #tpu.memory_space<vmem>> -> memref<1x256x16xf32, #tpu.memory_space<vmem>>
      %dma_wait3A_318 = tpu.memref_squeeze %dma_wait3A_317 : memref<1x256x16xf32, #tpu.memory_space<vmem>> -> memref<256x16xf32, #tpu.memory_space<vmem>>
      %dma_wait3A_319 = tpu.memref_slice %arg5[%multiple_of3A_268] : memref<51200xi32, #tpu.memory_space<vmem>> -> memref<256xi32, #tpu.memory_space<vmem>>
      %dma_wait3A_320 = arith.constant 0 : i32
      %dma_wait3A_321 = arith.constant 0 : i32
      %dma_wait3A_322 = tpu.memref_slice %arg2[%dma_wait3A_320, %dma_wait3A_321] : memref<2000000x16xf32, #tpu.memory_space<hbm>> -> memref<2000000x16xf32, #tpu.memory_space<hbm>>
      tpu.wait_indirect_dma semaphore(%arg7 : memref<!tpu.dma_semaphore, #tpu.memory_space<semaphore_mem>>) src(%dma_wait3A_322 : memref<2000000x16xf32, #tpu.memory_space<hbm>>) dst(%dma_wait3A_318 : memref<256x16xf32, #tpu.memory_space<vmem>>)
      %mul3A_323 = arith.constant 2 : i32
      %mul3A_324 = arith.muli %mul3A_323, %scan3A_205 : i32
      %add3A_325 = arith.constant 1 : i32
      %add3A_326 = arith.addi %mul3A_324, %add3A_325 : i32
      %mul3A_327 = arith.constant 1280 : i32
      %mul3A_328 = arith.muli %add3A_326, %mul3A_327 : i32
      %add3A_329 = arith.constant 0 : i32
      %add3A_330 = arith.addi %mul3A_328, %add3A_329 : i32
      %multiple_of3A_331 = tpu.assume_multiple %add3A_330, 256 : i32
      %dma_start3A_332 = arith.constant 1 : i32
      %dma_start3A_333 = arith.constant 0 : i32
      %dma_start3A_334 = arith.constant 0 : i32
      %dma_start3A_335 = tpu.memref_slice %arg6[%dma_start3A_332, %dma_start3A_333, %dma_start3A_334] : memref<2x1280x16xf32, #tpu.memory_space<vmem>> -> memref<1x256x16xf32, #tpu.memory_space<vmem>>
      %dma_start3A_336 = tpu.memref_squeeze %dma_start3A_335 : memref<1x256x16xf32, #tpu.memory_space<vmem>> -> memref<256x16xf32, #tpu.memory_space<vmem>>
      %dma_start3A_337 = tpu.memref_slice %arg5[%multiple_of3A_331] : memref<51200xi32, #tpu.memory_space<vmem>> -> memref<256xi32, #tpu.memory_space<vmem>>
      %dma_start3A_338 = arith.constant 0 : i32
      %dma_start3A_339 = arith.constant 0 : i32
      %dma_start3A_340 = tpu.memref_slice %arg2[%dma_start3A_338, %dma_start3A_339] : memref<2000000x16xf32, #tpu.memory_space<hbm>> -> memref<2000000x16xf32, #tpu.memory_space<hbm>>
      tpu.enqueue_indirect_dma source(%dma_start3A_340 : memref<2000000x16xf32, #tpu.memory_space<hbm>>) target(%dma_start3A_336 : memref<256x16xf32, #tpu.memory_space<vmem>>) offsets(%dma_start3A_337 : memref<256xi32, #tpu.memory_space<vmem>>) semaphore(%arg7 : memref<!tpu.dma_semaphore, #tpu.memory_space<semaphore_mem>>)
      %mul3A_341 = arith.constant 1280 : i32
      %mul3A_342 = arith.muli %add3A_326, %mul3A_341 : i32
      %add3A_343 = arith.constant 256 : i32
      %add3A_344 = arith.addi %mul3A_342, %add3A_343 : i32
      %multiple_of3A_345 = tpu.assume_multiple %add3A_344, 256 : i32
      %dma_start3A_346 = arith.constant 1 : i32
      %dma_start3A_347 = arith.constant 256 : i32
      %dma_start3A_348 = arith.constant 0 : i32
      %dma_start3A_349 = tpu.memref_slice %arg6[%dma_start3A_346, %dma_start3A_347, %dma_start3A_348] : memref<2x1280x16xf32, #tpu.memory_space<vmem>> -> memref<1x256x16xf32, #tpu.memory_space<vmem>>
      %dma_start3A_350 = tpu.memref_squeeze %dma_start3A_349 : memref<1x256x16xf32, #tpu.memory_space<vmem>> -> memref<256x16xf32, #tpu.memory_space<vmem>>
      %dma_start3A_351 = tpu.memref_slice %arg5[%multiple_of3A_345] : memref<51200xi32, #tpu.memory_space<vmem>> -> memref<256xi32, #tpu.memory_space<vmem>>
      %dma_start3A_352 = arith.constant 0 : i32
      %dma_start3A_353 = arith.constant 0 : i32
      %dma_start3A_354 = tpu.memref_slice %arg2[%dma_start3A_352, %dma_start3A_353] : memref<2000000x16xf32, #tpu.memory_space<hbm>> -> memref<2000000x16xf32, #tpu.memory_space<hbm>>
      tpu.enqueue_indirect_dma source(%dma_start3A_354 : memref<2000000x16xf32, #tpu.memory_space<hbm>>) target(%dma_start3A_350 : memref<256x16xf32, #tpu.memory_space<vmem>>) offsets(%dma_start3A_351 : memref<256xi32, #tpu.memory_space<vmem>>) semaphore(%arg7 : memref<!tpu.dma_semaphore, #tpu.memory_space<semaphore_mem>>)
      %mul3A_355 = arith.constant 1280 : i32
      %mul3A_356 = arith.muli %add3A_326, %mul3A_355 : i32
      %add3A_357 = arith.constant 512 : i32
      %add3A_358 = arith.addi %mul3A_356, %add3A_357 : i32
      %multiple_of3A_359 = tpu.assume_multiple %add3A_358, 256 : i32
      %dma_start3A_360 = arith.constant 1 : i32
      %dma_start3A_361 = arith.constant 512 : i32
      %dma_start3A_362 = arith.constant 0 : i32
      %dma_start3A_363 = tpu.memref_slice %arg6[%dma_start3A_360, %dma_start3A_361, %dma_start3A_362] : memref<2x1280x16xf32, #tpu.memory_space<vmem>> -> memref<1x256x16xf32, #tpu.memory_space<vmem>>
      %dma_start3A_364 = tpu.memref_squeeze %dma_start3A_363 : memref<1x256x16xf32, #tpu.memory_space<vmem>> -> memref<256x16xf32, #tpu.memory_space<vmem>>
      %dma_start3A_365 = tpu.memref_slice %arg5[%multiple_of3A_359] : memref<51200xi32, #tpu.memory_space<vmem>> -> memref<256xi32, #tpu.memory_space<vmem>>
      %dma_start3A_366 = arith.constant 0 : i32
      %dma_start3A_367 = arith.constant 0 : i32
      %dma_start3A_368 = tpu.memref_slice %arg2[%dma_start3A_366, %dma_start3A_367] : memref<2000000x16xf32, #tpu.memory_space<hbm>> -> memref<2000000x16xf32, #tpu.memory_space<hbm>>
      tpu.enqueue_indirect_dma source(%dma_start3A_368 : memref<2000000x16xf32, #tpu.memory_space<hbm>>) target(%dma_start3A_364 : memref<256x16xf32, #tpu.memory_space<vmem>>) offsets(%dma_start3A_365 : memref<256xi32, #tpu.memory_space<vmem>>) semaphore(%arg7 : memref<!tpu.dma_semaphore, #tpu.memory_space<semaphore_mem>>)
      %mul3A_369 = arith.constant 1280 : i32
      %mul3A_370 = arith.muli %add3A_326, %mul3A_369 : i32
      %add3A_371 = arith.constant 768 : i32
      %add3A_372 = arith.addi %mul3A_370, %add3A_371 : i32
      %multiple_of3A_373 = tpu.assume_multiple %add3A_372, 256 : i32
      %dma_start3A_374 = arith.constant 1 : i32
      %dma_start3A_375 = arith.constant 768 : i32
      %dma_start3A_376 = arith.constant 0 : i32
      %dma_start3A_377 = tpu.memref_slice %arg6[%dma_start3A_374, %dma_start3A_375, %dma_start3A_376] : memref<2x1280x16xf32, #tpu.memory_space<vmem>> -> memref<1x256x16xf32, #tpu.memory_space<vmem>>
      %dma_start3A_378 = tpu.memref_squeeze %dma_start3A_377 : memref<1x256x16xf32, #tpu.memory_space<vmem>> -> memref<256x16xf32, #tpu.memory_space<vmem>>
      %dma_start3A_379 = tpu.memref_slice %arg5[%multiple_of3A_373] : memref<51200xi32, #tpu.memory_space<vmem>> -> memref<256xi32, #tpu.memory_space<vmem>>
      %dma_start3A_380 = arith.constant 0 : i32
      %dma_start3A_381 = arith.constant 0 : i32
      %dma_start3A_382 = tpu.memref_slice %arg2[%dma_start3A_380, %dma_start3A_381] : memref<2000000x16xf32, #tpu.memory_space<hbm>> -> memref<2000000x16xf32, #tpu.memory_space<hbm>>
      tpu.enqueue_indirect_dma source(%dma_start3A_382 : memref<2000000x16xf32, #tpu.memory_space<hbm>>) target(%dma_start3A_378 : memref<256x16xf32, #tpu.memory_space<vmem>>) offsets(%dma_start3A_379 : memref<256xi32, #tpu.memory_space<vmem>>) semaphore(%arg7 : memref<!tpu.dma_semaphore, #tpu.memory_space<semaphore_mem>>)
      %mul3A_383 = arith.constant 1280 : i32
      %mul3A_384 = arith.muli %add3A_326, %mul3A_383 : i32
      %add3A_385 = arith.constant 1024 : i32
      %add3A_386 = arith.addi %mul3A_384, %add3A_385 : i32
      %multiple_of3A_387 = tpu.assume_multiple %add3A_386, 256 : i32
      %dma_start3A_388 = arith.constant 1 : i32
      %dma_start3A_389 = arith.constant 1024 : i32
      %dma_start3A_390 = arith.constant 0 : i32
      %dma_start3A_391 = tpu.memref_slice %arg6[%dma_start3A_388, %dma_start3A_389, %dma_start3A_390] : memref<2x1280x16xf32, #tpu.memory_space<vmem>> -> memref<1x256x16xf32, #tpu.memory_space<vmem>>
      %dma_start3A_392 = tpu.memref_squeeze %dma_start3A_391 : memref<1x256x16xf32, #tpu.memory_space<vmem>> -> memref<256x16xf32, #tpu.memory_space<vmem>>
      %dma_start3A_393 = tpu.memref_slice %arg5[%multiple_of3A_387] : memref<51200xi32, #tpu.memory_space<vmem>> -> memref<256xi32, #tpu.memory_space<vmem>>
      %dma_start3A_394 = arith.constant 0 : i32
      %dma_start3A_395 = arith.constant 0 : i32
      %dma_start3A_396 = tpu.memref_slice %arg2[%dma_start3A_394, %dma_start3A_395] : memref<2000000x16xf32, #tpu.memory_space<hbm>> -> memref<2000000x16xf32, #tpu.memory_space<hbm>>
      tpu.enqueue_indirect_dma source(%dma_start3A_396 : memref<2000000x16xf32, #tpu.memory_space<hbm>>) target(%dma_start3A_392 : memref<256x16xf32, #tpu.memory_space<vmem>>) offsets(%dma_start3A_393 : memref<256xi32, #tpu.memory_space<vmem>>) semaphore(%arg7 : memref<!tpu.dma_semaphore, #tpu.memory_space<semaphore_mem>>)
      %dma_wait3A_397 = arith.constant 1 : i32
      %dma_wait3A_398 = arith.constant 0 : i32
      %dma_wait3A_399 = arith.constant 0 : i32
      %dma_wait3A_400 = tpu.memref_slice %arg6[%dma_wait3A_397, %dma_wait3A_398, %dma_wait3A_399] : memref<2x1280x16xf32, #tpu.memory_space<vmem>> -> memref<1x256x16xf32, #tpu.memory_space<vmem>>
      %dma_wait3A_401 = tpu.memref_squeeze %dma_wait3A_400 : memref<1x256x16xf32, #tpu.memory_space<vmem>> -> memref<256x16xf32, #tpu.memory_space<vmem>>
      %dma_wait3A_402 = tpu.memref_slice %arg5[%multiple_of3A_331] : memref<51200xi32, #tpu.memory_space<vmem>> -> memref<256xi32, #tpu.memory_space<vmem>>
      %dma_wait3A_403 = arith.constant 0 : i32
      %dma_wait3A_404 = arith.constant 0 : i32
      %dma_wait3A_405 = tpu.memref_slice %arg2[%dma_wait3A_403, %dma_wait3A_404] : memref<2000000x16xf32, #tpu.memory_space<hbm>> -> memref<2000000x16xf32, #tpu.memory_space<hbm>>
      tpu.wait_indirect_dma semaphore(%arg7 : memref<!tpu.dma_semaphore, #tpu.memory_space<semaphore_mem>>) src(%dma_wait3A_405 : memref<2000000x16xf32, #tpu.memory_space<hbm>>) dst(%dma_wait3A_401 : memref<256x16xf32, #tpu.memory_space<vmem>>)
      %dma_wait3A_406 = arith.constant 1 : i32
      %dma_wait3A_407 = arith.constant 256 : i32
      %dma_wait3A_408 = arith.constant 0 : i32
      %dma_wait3A_409 = tpu.memref_slice %arg6[%dma_wait3A_406, %dma_wait3A_407, %dma_wait3A_408] : memref<2x1280x16xf32, #tpu.memory_space<vmem>> -> memref<1x256x16xf32, #tpu.memory_space<vmem>>
      %dma_wait3A_410 = tpu.memref_squeeze %dma_wait3A_409 : memref<1x256x16xf32, #tpu.memory_space<vmem>> -> memref<256x16xf32, #tpu.memory_space<vmem>>
      %dma_wait3A_411 = tpu.memref_slice %arg5[%multiple_of3A_345] : memref<51200xi32, #tpu.memory_space<vmem>> -> memref<256xi32, #tpu.memory_space<vmem>>
      %dma_wait3A_412 = arith.constant 0 : i32
      %dma_wait3A_413 = arith.constant 0 : i32
      %dma_wait3A_414 = tpu.memref_slice %arg2[%dma_wait3A_412, %dma_wait3A_413] : memref<2000000x16xf32, #tpu.memory_space<hbm>> -> memref<2000000x16xf32, #tpu.memory_space<hbm>>
      tpu.wait_indirect_dma semaphore(%arg7 : memref<!tpu.dma_semaphore, #tpu.memory_space<semaphore_mem>>) src(%dma_wait3A_414 : memref<2000000x16xf32, #tpu.memory_space<hbm>>) dst(%dma_wait3A_410 : memref<256x16xf32, #tpu.memory_space<vmem>>)
      %dma_wait3A_415 = arith.constant 1 : i32
      %dma_wait3A_416 = arith.constant 512 : i32
      %dma_wait3A_417 = arith.constant 0 : i32
      %dma_wait3A_418 = tpu.memref_slice %arg6[%dma_wait3A_415, %dma_wait3A_416, %dma_wait3A_417] : memref<2x1280x16xf32, #tpu.memory_space<vmem>> -> memref<1x256x16xf32, #tpu.memory_space<vmem>>
      %dma_wait3A_419 = tpu.memref_squeeze %dma_wait3A_418 : memref<1x256x16xf32, #tpu.memory_space<vmem>> -> memref<256x16xf32, #tpu.memory_space<vmem>>
      %dma_wait3A_420 = tpu.memref_slice %arg5[%multiple_of3A_359] : memref<51200xi32, #tpu.memory_space<vmem>> -> memref<256xi32, #tpu.memory_space<vmem>>
      %dma_wait3A_421 = arith.constant 0 : i32
      %dma_wait3A_422 = arith.constant 0 : i32
      %dma_wait3A_423 = tpu.memref_slice %arg2[%dma_wait3A_421, %dma_wait3A_422] : memref<2000000x16xf32, #tpu.memory_space<hbm>> -> memref<2000000x16xf32, #tpu.memory_space<hbm>>
      tpu.wait_indirect_dma semaphore(%arg7 : memref<!tpu.dma_semaphore, #tpu.memory_space<semaphore_mem>>) src(%dma_wait3A_423 : memref<2000000x16xf32, #tpu.memory_space<hbm>>) dst(%dma_wait3A_419 : memref<256x16xf32, #tpu.memory_space<vmem>>)
      %dma_wait3A_424 = arith.constant 1 : i32
      %dma_wait3A_425 = arith.constant 768 : i32
      %dma_wait3A_426 = arith.constant 0 : i32
      %dma_wait3A_427 = tpu.memref_slice %arg6[%dma_wait3A_424, %dma_wait3A_425, %dma_wait3A_426] : memref<2x1280x16xf32, #tpu.memory_space<vmem>> -> memref<1x256x16xf32, #tpu.memory_space<vmem>>
      %dma_wait3A_428 = tpu.memref_squeeze %dma_wait3A_427 : memref<1x256x16xf32, #tpu.memory_space<vmem>> -> memref<256x16xf32, #tpu.memory_space<vmem>>
      %dma_wait3A_429 = tpu.memref_slice %arg5[%multiple_of3A_373] : memref<51200xi32, #tpu.memory_space<vmem>> -> memref<256xi32, #tpu.memory_space<vmem>>
      %dma_wait3A_430 = arith.constant 0 : i32
      %dma_wait3A_431 = arith.constant 0 : i32
      %dma_wait3A_432 = tpu.memref_slice %arg2[%dma_wait3A_430, %dma_wait3A_431] : memref<2000000x16xf32, #tpu.memory_space<hbm>> -> memref<2000000x16xf32, #tpu.memory_space<hbm>>
      tpu.wait_indirect_dma semaphore(%arg7 : memref<!tpu.dma_semaphore, #tpu.memory_space<semaphore_mem>>) src(%dma_wait3A_432 : memref<2000000x16xf32, #tpu.memory_space<hbm>>) dst(%dma_wait3A_428 : memref<256x16xf32, #tpu.memory_space<vmem>>)
      %dma_wait3A_433 = arith.constant 1 : i32
      %dma_wait3A_434 = arith.constant 1024 : i32
      %dma_wait3A_435 = arith.constant 0 : i32
      %dma_wait3A_436 = tpu.memref_slice %arg6[%dma_wait3A_433, %dma_wait3A_434, %dma_wait3A_435] : memref<2x1280x16xf32, #tpu.memory_space<vmem>> -> memref<1x256x16xf32, #tpu.memory_space<vmem>>
      %dma_wait3A_437 = tpu.memref_squeeze %dma_wait3A_436 : memref<1x256x16xf32, #tpu.memory_space<vmem>> -> memref<256x16xf32, #tpu.memory_space<vmem>>
      %dma_wait3A_438 = tpu.memref_slice %arg5[%multiple_of3A_387] : memref<51200xi32, #tpu.memory_space<vmem>> -> memref<256xi32, #tpu.memory_space<vmem>>
      %dma_wait3A_439 = arith.constant 0 : i32
      %dma_wait3A_440 = arith.constant 0 : i32
      %dma_wait3A_441 = tpu.memref_slice %arg2[%dma_wait3A_439, %dma_wait3A_440] : memref<2000000x16xf32, #tpu.memory_space<hbm>> -> memref<2000000x16xf32, #tpu.memory_space<hbm>>
      tpu.wait_indirect_dma semaphore(%arg7 : memref<!tpu.dma_semaphore, #tpu.memory_space<semaphore_mem>>) src(%dma_wait3A_441 : memref<2000000x16xf32, #tpu.memory_space<hbm>>) dst(%dma_wait3A_437 : memref<256x16xf32, #tpu.memory_space<vmem>>)
    }
    %scan3A_204 = arith.constant 19 : i32
    %run_scoped3A = arith.constant 0 : i32
    "tpu.region"() ({
      %run_scoped3A_205 = tpu.sem_alloc : memref<!tpu.dma_semaphore, #tpu.memory_space<semaphore_mem>>
      %dma_start3A_206 = arith.constant 0 : i32
      %dma_start3A_207 = arith.constant 0 : i32
      %dma_start3A_208 = tpu.memref_slice %arg6[%run_scoped3A, %dma_start3A_206, %dma_start3A_207] : memref<2x1280x16xf32, #tpu.memory_space<vmem>> -> memref<1x1280x16xf32, #tpu.memory_space<vmem>>
      %dma_start3A_209 = tpu.memref_squeeze %dma_start3A_208 : memref<1x1280x16xf32, #tpu.memory_space<vmem>> -> memref<1280x16xf32, #tpu.memory_space<vmem>>
      %dma_start3A_210 = arith.constant 0 : i32
      %dma_start3A_211 = tpu.memref_slice %arg4[%mul3A_2, %dma_start3A_210] : memref<1638400x16xf32, #tpu.memory_space<hbm>> -> memref<1280x16xf32, #tpu.memory_space<hbm>>
      %dma_start3A_212 = arith.constant 0 : i32
      %dma_start3A_213 = tpu.memref_slice %arg4[%mul3A_2, %dma_start3A_212] : memref<1638400x16xf32, #tpu.memory_space<hbm>> -> memref<1280x16xf32, #tpu.memory_space<hbm>>
      %dma_start3A_214 = arith.constant 0 : i32
      %dma_start3A_215 = arith.constant 0 : i32
      %dma_start3A_216 = tpu.memref_slice %arg6[%run_scoped3A, %dma_start3A_214, %dma_start3A_215] : memref<2x1280x16xf32, #tpu.memory_space<vmem>> -> memref<1x1280x16xf32, #tpu.memory_space<vmem>>
      %dma_start3A_217 = tpu.memref_squeeze %dma_start3A_216 : memref<1x1280x16xf32, #tpu.memory_space<vmem>> -> memref<1280x16xf32, #tpu.memory_space<vmem>>
      tpu.enqueue_dma source(%dma_start3A_217 : memref<1280x16xf32, #tpu.memory_space<vmem>>) target(%dma_start3A_213 : memref<1280x16xf32, #tpu.memory_space<hbm>>) target_semaphore(%run_scoped3A_205 : memref<!tpu.dma_semaphore, #tpu.memory_space<semaphore_mem>>)
      %dma_wait3A_218 = arith.constant 0 : i32
      %dma_wait3A_219 = arith.constant 0 : i32
      %dma_wait3A_220 = tpu.memref_slice %arg6[%run_scoped3A, %dma_wait3A_218, %dma_wait3A_219] : memref<2x1280x16xf32, #tpu.memory_space<vmem>> -> memref<1x1280x16xf32, #tpu.memory_space<vmem>>
      %dma_wait3A_221 = tpu.memref_squeeze %dma_wait3A_220 : memref<1x1280x16xf32, #tpu.memory_space<vmem>> -> memref<1280x16xf32, #tpu.memory_space<vmem>>
      %dma_wait3A_222 = arith.constant 0 : i32
      %dma_wait3A_223 = tpu.memref_slice %arg4[%mul3A_2, %dma_wait3A_222] : memref<1638400x16xf32, #tpu.memory_space<hbm>> -> memref<1280x16xf32, #tpu.memory_space<hbm>>
      %dma_wait3A_224 = arith.constant 0 : i32
      %dma_wait3A_225 = tpu.memref_slice %arg4[%mul3A_2, %dma_wait3A_224] : memref<1638400x16xf32, #tpu.memory_space<hbm>> -> memref<1280x16xf32, #tpu.memory_space<hbm>>
      %dma_wait3A_226 = arith.constant 0 : i32
      %dma_wait3A_227 = arith.constant 0 : i32
      %dma_wait3A_228 = tpu.memref_slice %arg6[%run_scoped3A, %dma_wait3A_226, %dma_wait3A_227] : memref<2x1280x16xf32, #tpu.memory_space<vmem>> -> memref<1x1280x16xf32, #tpu.memory_space<vmem>>
      %dma_wait3A_229 = tpu.memref_squeeze %dma_wait3A_228 : memref<1x1280x16xf32, #tpu.memory_space<vmem>> -> memref<1280x16xf32, #tpu.memory_space<vmem>>
      tpu.wait_dma2 semaphore(%run_scoped3A_205 : memref<!tpu.dma_semaphore, #tpu.memory_space<semaphore_mem>>) src(%dma_wait3A_229 : memref<1280x16xf32, #tpu.memory_space<vmem>>) dst(%dma_wait3A_225 : memref<1280x16xf32, #tpu.memory_space<hbm>>)
      tpu.yield
    }) : () -> ()
    return
  }
}

</mosaic_0001>

<sc_bundles>
// kernel: _gather_rows.3.cloned.1.call-start
scs
__scs_entry_jumppad:
0x0: {  	(pc) =	sbr.rel $0x88, $3  }
0x1: {  	(tag) =	ssettag $0x0;
	lr =	simm.s32 $0x1  }
0x2: {  	[smem:$0x3F9F] =	sst lr;
	_ =	strace $0xD0000000  }
0x3: {  	_ = 	snop  }
0x4: {  	_ = 	snop  }
0x5: {  	_ = 	snop  }
0x6: {  	_ = 	snop  }
0x7: {  	_ = 	snop  }
__scs_overlays_trampoline_lowered:
0x8: {  	[smem:$0x3FAE] =	sst s0  }
0x9: {  	[smem:$0x3FAF] =	sst s1  }
0xa: {  	[smem:$0x3FB0] =	sst s2  }
0xb: {  	[smem:$0x3FB1] =	sst s3  }
0xc: {  	[smem:$0x3FB2] =	sst s4  }
0xd: {  	[smem:$0x3FB3] =	sst s5  }
0xe: {  	[smem:$0x3FB4] =	sst s6  }
0xf: {  	[smem:$0x3FB5] =	sst s7  }
0x10: {  	[smem:$0x3FB6] =	sst s8  }
0x11: {  	[smem:$0x3FB7] =	sst s9;
	s0 =	simm.s32 @!p0 $0x0  }
0x12: {  	s1 =	sld [smem:$0x3F9D];
	s0 =	simm.s32 @p0 $0x1  }
0x13: {  	[smem:$0x3FB8] =	sst s0;
	s0 =	simm.s32 @!p1 $0x0  }
0x14: {  	s2 =	sld [smem:$0x3F9C];
	s0 =	simm.s32 @p1 $0x1  }
0x15: {  	[smem:$0x3FB9] =	sst s0;
	s0 =	simm.s32 @!p2 $0x0  }
0x16: {  	s3 =	sld [smem:$0x3FDB];
	s0 =	simm.s32 @p2 $0x1  }
0x17: {  	s4 =	simm.s32 $0x1BF5;
	[smem:$0x3FBB] =	sst s0  }
0x18: {  	s0 =	sld [smem:$0x3F9E];
	_ =	swait.ge [sflag:s4], $0x0  }
0x19: {  	s7 =	sld [smem:$0x3F9F]  }
0x1a: {  	s8 =	sadd.s32 $0xFFFFE003, lr  }
0x1b: {  	s9 =	sadd.s32 $0xFFFFFEF7, lr;
	s5 =	simm.s32 $0xFFFFFFFF;
	p2 =	slt.u32 s8, $0xFFFFF086  }
0x1c: {  	p1 =	slt.u32 s9, $0xF7A;
	s5 =	simm.s32 @!p2 $0x0  }
0x1d: {  	s5 =	simm.s32 @p1 $0x1;
	p0 =	seq.s32 s7, s2  }
0x1e: {  	s7 =	smul.u32 @!p0 $0xF7A, s2;
	p2 =	seq.s32 @!p0 s5, $0x0  }
0x1f: {  	s9 =	smul.u32 $0xF7A, s1;
	s8 =	simm.s32 @!p0 $0x1BF5;
	p2 =	por !p2, p0  }
0x20: {  	[sflag:s8] =	ssyncset.s32 @!p0 $0xFFFFF086;
	s6 =	sadd.s32 @!p0 s3, s7;
	s7 =	simm.s32 @!p0 $0x108  }
0x21: {  	s3 =	sadd.s32 s3, s9;
	s6 =	sadd.s32 @!p0 $0x88, s6;
	s7 =	simm.s32 @p2 $0x1082  }
0x22: {  	[simem:s7], [sflag:s8] =	dma.local @!p0 [hbm:s6], $0xF7A  }
0x23: {  	s9 =	sor.u32 $0xD0000000, s2;
	s6 =	simm.s32 $0x108;
	_ =	swait.ge @!p0 [sflag:s8], $0x0  }
0x24: {  	s3 =	sadd.s32 $0x88, s3;
	s6 =	simm.s32 @!p1 $0x1082;
	[sflag:s4] =	ssyncset.s32 $0xFFFFF086  }
0x25: {  	[simem:s6], [sflag:s4] =	dma.local [hbm:s3], $0xF7A  }
0x26: {  	[smem:$0x3F9F] =	sst s1;
	(tag) =	ssettag s2;
	_ =	strace s9  }
0x27: {  	s1 =	sld [smem:$0x3FAF]  }
0x28: {  	s2 =	sld [smem:$0x3FB0]  }
0x29: {  	s4 =	sld [smem:$0x3FB2]  }
0x2a: {  	p0 =	seq.s32 s5, $0x0;
	s5 =	sld [smem:$0x3FB3]  }
0x2b: {  	s6 =	sld [smem:$0x3FB4]  }
0x2c: {  	s7 =	sld [smem:$0x3FB5]  }
0x2d: {  	s3 =	simm.s32 $0x108;
	s8 =	sld [smem:$0x3FB6]  }
0x2e: {  	s3 =	simm.s32 @!p0 $0x1082;
	s9 =	sld [smem:$0x3FB7]  }
0x2f: {  	lr =	sadd.s32 s0, s3;
	s0 =	sld [smem:$0x3FAE]  }
0x30: {  	s3 =	sld [smem:$0x3FB1]  }
0x31: {  	[smem:$0x3FBA] =	sst s10  }
0x32: {  	s10 =	sld [smem:$0x3FB8];
	_ =	sdelay $0x3  }
0x33: {  	p0 =	seq.s32 s10, $0x1;
	s10 =	sld [smem:$0x3FBA];
	_ =	sdelay $0x3  }
0x34: {  	[smem:$0x3FBA] =	sst s10  }
0x35: {  	s10 =	sld [smem:$0x3FB9];
	_ =	sdelay $0x3  }
0x36: {  	p1 =	seq.s32 s10, $0x1;
	s10 =	sld [smem:$0x3FBA];
	_ =	sdelay $0x3  }
0x37: {  	[smem:$0x3FBA] =	sst s10  }
0x38: {  	s10 =	sld [smem:$0x3FBB]  }
0x39: {  	_ = 	snop;
	(pc) =	sbr.ind lr, $3  }
0x3a: {  	_ = 	snop  }
0x3b: {  	_ = 	snop  }
0x3c: {  	p2 =	seq.s32 s10, $0x1;
	s10 =	sld [smem:$0x3FBA]  }
0x3d: {  	_ =	shalt  }
0x3e: {  	_ =	shalt  }
0x3f: {  	_ =	shalt  }
0x40: {  	_ =	shalt  }
0x41: {  	_ =	shalt  }
0x42: {  	_ =	shalt  }
0x43: {  	_ =	shalt  }
0x44: {  	_ =	shalt  }
0x45: {  	_ =	shalt  }
0x46: {  	_ =	shalt  }
0x47: {  	_ =	shalt  }
0x48: {  	_ =	shalt  }
0x49: {  	_ =	shalt  }
0x4a: {  	_ =	shalt  }
0x4b: {  	_ =	shalt  }
0x4c: {  	_ =	shalt  }
0x4d: {  	_ =	shalt  }
0x4e: {  	_ =	shalt  }
0x4f: {  	_ =	shalt  }
0x50: {  	_ =	shalt  }
0x51: {  	_ =	shalt  }
0x52: {  	_ =	shalt  }
0x53: {  	_ =	shalt  }
0x54: {  	_ =	shalt  }
0x55: {  	_ =	shalt  }
0x56: {  	_ =	shalt  }
0x57: {  	_ =	shalt  }
0x58: {  	_ =	shalt  }
0x59: {  	_ =	shalt  }
0x5a: {  	_ =	shalt  }
0x5b: {  	_ =	shalt  }
0x5c: {  	_ =	shalt  }
0x5d: {  	_ =	shalt  }
0x5e: {  	_ =	shalt  }
0x5f: {  	_ =	shalt  }
0x60: {  	_ =	shalt  }
0x61: {  	_ =	shalt  }
0x62: {  	_ =	shalt  }
0x63: {  	_ =	shalt  }
0x64: {  	_ =	shalt  }
0x65: {  	_ =	shalt  }
0x66: {  	_ =	shalt  }
0x67: {  	_ =	shalt  }
0x68: {  	_ =	shalt  }
0x69: {  	_ =	shalt  }
0x6a: {  	_ =	shalt  }
0x6b: {  	_ =	shalt  }
0x6c: {  	_ =	shalt  }
0x6d: {  	_ =	shalt  }
0x6e: {  	_ =	shalt  }
0x6f: {  	_ =	shalt  }
0x70: {  	_ =	shalt  }
0x71: {  	_ =	shalt  }
0x72: {  	_ =	shalt  }
0x73: {  	_ =	shalt  }
0x74: {  	_ =	shalt  }
0x75: {  	_ =	shalt  }
0x76: {  	_ =	shalt  }
0x77: {  	_ =	shalt  }
0x78: {  	_ =	shalt  }
0x79: {  	_ =	shalt  }
0x7a: {  	_ =	shalt  }
0x7b: {  	_ =	shalt  }
0x7c: {  	_ =	shalt  }
0x7d: {  	_ =	shalt  }
0x7e: {  	_ =	shalt  }
0x7f: {  	_ =	shalt  }
0x80: {  	_ =	shalt  }
0x81: {  	_ =	shalt  }
0x82: {  	_ =	shalt  }
0x83: {  	_ =	shalt  }
0x84: {  	_ =	shalt  }
0x85: {  	_ =	shalt  }
0x86: {  	_ =	shalt  }
0x87: {  	_ =	shalt  }
.Lfunc_end0:
.L_simem_size_0:
called_computation.1_lowered:
.L_overlay_start_0:
0x88: {  	s2 =	sld [smem:$0x3FD9]  }
0x89: {  	s3 =	sld [smem:$0x3FFE];
	_ =	sdelay $0x1  }
0x8a: {  	s1 =	srdreg.scid  }
0x8b: {  	s0 =	sand.u32 $0x1, s1  }
0x8c: {  	s17 =	sshll.u32 s0, $0xA;
	s2 =	sadd.s32 s3, s2  }
0x8d: {  	s2 =	sadd.s32 s2, s17  }
0x8e: {  	[smem:$0x3FC6] =	sst s2  }
0x8f: {  	_ = 	snop  }
0x90: {  	s2 =	sld [smem:$0x3FC8]  }
0x91: {  	s18 =	sld [smem:$0x3FD0];
	(tm) =	ssettm $0x1  }
0x92: {  	s4 =	sld [smem:$0x3FFB];
	_ =	sdelay $0x3  }
0x93: {  	_ =	strace s4  }
0x94: {  	s4 =	sld [smem:$0x3FFC];
	_ =	sdelay $0x3  }
0x95: {  	_ =	strace s4  }
0x96: {  	s4 =	sld [smem:$0x3FFD];
	_ =	sdelay $0x3  }
0x97: {  	_ =	strace s4  }
0x98: {  	_ =	strace $0x8FFFFFFF  }
0x99: {  	s19 =	sld [smem:$0x3FDB];
	_ =	sdelay $0x1  }
0x9a: {  	s5 =	simm.s32 $_scs_section_size  }
0x9b: {  	s6 =	simm.s32 $_size__tile_overlayer_lowered;
	s7 =	simm.s32 $_tile_overlayer_lowered  }
0x9c: {  	s22 =	simm.s32 $0x1BFF;
	s21 =	sshll.u32 s7, $0x1;
	s4 =	sadd.s32 s5, s19  }
0x9d: {  	s8 =	simm.s32 $0x0;
	s20 =	sshll.u32 s6, $0x1;
	s6 =	sadd.s32 s21, s4  }
0x9e: {  	[timem:s8], [sflag:s22] =	dma.local [hbm:s6], s20  }
0x9f: {  	_ =	swait.ge [sflag:s22], s20  }
0xa0: {  	s5 =	ssub.s32 $0x0, s20;
	[sflag:s22] =	ssyncset.done $0x0  }
0xa1: {  	[sflag:s22] =	ssyncadd.s32 s5;
	_ =	sdelay $0x1  }
0xa2: {  	s23 =	simm.s32 $0x1B8B  }
0xa3: {  	_ =	swait.ge [sflag:s23], $0x1  }
0xa4: {  	[sflag:s23] =	ssyncset.done $0x0  }
0xa5: {  	s25 =	simm.s32 $0x1B8E;
	s24 =	sld [smem:$0x3FFE];
	[sflag:s23] =	ssyncadd.s32 $0xFFFFFFFF  }
0xa6: {  	s26 =	simm.s32 $execute0_lowered;
	[smem:$0x3FD2] =	sst s25  }
0xa7: {  	s6 =	sshll.u32 s26, $0x1;
	_ =	strace $0x80000046;
	[dreg:$0x1] =	wrdreg $0xFFFFFFFF  }
0xa8: {  	s28 =	simm.s32 $_size_execute0_lowered;
	s4 =	sadd.s32 s4, s6;
	[dreg:$0x0] =	wrdreg $0x0  }
0xa9: {  	s6 =	sshll.u32 s28, $0x1;
	[dreg:$0x2] =	wrdreg s4  }
0xaa: {  	[dreg:$0x3] =	wrdreg s6  }
0xab: {  	[dreg:$0x4] =	wrdreg $0xC0  }
0xac: {  	_ =	task [dreg:s8], $0x5FFFF  }
0xad: {  	[dreg:$0x1] =	wrdreg $0xFFFFFFFF  }
0xae: {  	[dreg:$0x0] =	wrdreg $0x60  }
0xaf: {  	[dreg:$0x2] =	wrdreg s24  }
0xb0: {  	[dreg:$0x3] =	wrdreg s2  }
0xb1: {  	[dreg:$0x4] =	wrdreg s18  }
0xb2: {  	[dreg:$0x5] =	wrdreg $0x9  }
0xb3: {  	_ =	task.clear_ibuf [dreg:s8], $0x6FFFF;
	_ =	strace $0x90000046  }
0xb4: {  	s29 =	simm.s32 $0x9;
	_ =	strace $0x80000048  }
0xb5: {  	_ =	swait.ge [sflag:s29], $0x1  }
0xb6: {  	[sflag:s29] =	ssyncadd.s32 $0xFFFFFFFF  }
0xb7: {  	_ =	strace $0x90000048  }
0xb8: {  	_ =	sfence  }
0xb9: {  	s30 =	sld [smem:$0x0];
	_ =	sdelay $0x2  }
0xba: {  	s31 =	sshll.u32 s1, $0xD;
	s1 =	sshrl.u32 s1, $0x2  }
0xbb: {  	s3 =	sand.u32 $0x4000, s31;
	s1 =	sadd.s32 s1, s30  }
0xbc: {  	s0 =	sor.u32 s3, s0;
	s1 =	sshll.u32 s1, $0x11  }
0xbd: {  	s0 =	sor.u32 s1, s0  }
0xbe: {  	s0 =	sadd.s32 $0x8F2B, s0  }
0xbf: {  	[sflag:s0] =	ssyncadd.remote.s32 $0x1  }
0xc0: {  	_ =	sfence.sel $0xFFFF  }
0xc1: {  	[dreg:$0x0] =	wrdreg $0xFFFFFFFF;
	(pc) =	sbr.abs _section_cstart, $3  }
0xc2: {  	[dreg:$0x1] =	wrdreg $0xFFFFFFFF  }
0xc3: {  	_ =	task.clear_ibuf [dreg:s8], $0x2FFFF;
	_ =	strace $0x9FFFFFFF  }
0xc4: {  	(tm) =	ssettm $0x7FFFFFFF  }
0xc5: {  	_ =	shalt  }
tec
execute0_lowered:
.L_overlay_start_1:
0x0: {  	(tag) =	ssettag $0x1  }
0x1: {  	s0 =	rddreg [dreg:$0x0]  }
0x2: {  	s1 =	rddreg [dreg:$0x1];
	s2 =	srdreg.scid  }
0x3: {  	s4 =	stileid.u32;
	s5 =	rddreg [dreg:$0x2]  }
0x4: {  	s10 =	simm.s32 $0xD800;
	s12 =	simm.s32 $0xE800;
	s13 =	simm.s32 $0x300  }
0x5: {  	s14 =	simm.s32 $0xF800;
	s15 =	simm.s32 $0x400;
	s16 =	simm.s32 $0x10800  }
0x6: {  	s17 =	simm.s32 $0x1;
	s18 =	simm.s32 $0x500;
	s19 =	simm.s32 $0x11800  }
0x7: {  	s20 =	simm.s32 $0x600;
	s21 =	simm.s32 $0x12800;
	s22 =	simm.s32 $0x700  }
0x8: {  	s23 =	simm.s32 $0x13800;
	s24 =	simm.s32 $0x800;
	s25 =	simm.s32 $0x14800  }
0x9: {  	s26 =	simm.s32 $0x900;
	s3 =	sand.u32 $0x1, s2;
	s4 =	sshll.u32 s4, $0x1  }
0xa: {  	s28 =	simm.s32 $0x15800;
	s29 =	simm.s32 $0x0;
	s4 =	sor.u32 s3, s4  }
0xb: {  	s2 =	simm.s32 $0x0;
	s6 =	ssub.s32 $0x2, s3;
	s7 =	smul.u32 $0x1900, s4  }
0xc: {  	[smem:$0x7FF] =	sst s2;
	s8 =	sshrl.u32 s6, $0x1;
	s9 =	smul.u32 $0x19000, s4  }
0xd: {  	s3 =	sadd.s32 $0x1E85000, s0;
	_ =	strace $0x80000047;
	s31 =	ssub.s32 s6, s8  }
0xe: {  	s8 =	simm.s32 $0x100;
	s4 =	sadd.s32 s1, s7;
	s5 =	sadd.s32 s5, s9  }
0xf: {  	s6 =	smax.u32 s31, $0x1;
	s7 =	simm.s32 $0x2;
	s9 =	simm.s32 $0xC800  }
.LBB2_1:
0x10: {  	[tilespmem:s2], [sflag:$0x2] =	stream.linear.gather [hbm4b:s4+s2], $0xC800, $0x38;
	[tilespmem:$0x16800] =	vst v63  }
0x11: {  	_ =	swait.ge [sflag:s7], $0xC800  }
0x12: {  	[sflag:s7] =	ssyncset.done $0x0  }
0x13: {  	[sflag:s7] =	ssyncadd.s32 $0xFFFF3800  }
0x14: {  	[tilespmem:s9], [sflag:$0x1] =	stream.indirect.gather [hbm4b:s3+s8], $0x10, s2, s8, $0xb8;
	[tilespmem:$0x16800] =	vst v63  }
0x15: {  	_ = 	snop  }
0x16: {  	[tilespmem:s10], [sflag:$0x1] =	stream.indirect.gather [hbm4b:s3+s8], $0x10, s8, s8, $0xb8;
	[tilespmem:$0x16800] =	vst v63  }
0x17: {  	s0 =	simm.s32 $0x200  }
0x18: {  	[tilespmem:s12], [sflag:$0x1] =	stream.indirect.gather [hbm4b:s3+s8], $0x10, s0, s8, $0xb8;
	[tilespmem:$0x16800] =	vst v63  }
0x19: {  	_ = 	snop  }
0x1a: {  	[tilespmem:s14], [sflag:$0x1] =	stream.indirect.gather [hbm4b:s3+s8], $0x10, s13, s8, $0xb8;
	[tilespmem:$0x16800] =	vst v63  }
0x1b: {  	_ = 	snop  }
0x1c: {  	[tilespmem:s16], [sflag:$0x1] =	stream.indirect.gather [hbm4b:s3+s8], $0x10, s15, s8, $0xb8;
	[tilespmem:$0x16800] =	vst v63  }
0x1d: {  	_ =	swait.ge [sflag:s17], $0x1000  }
0x1e: {  	[sflag:s17] =	ssyncset.done $0x0  }
0x1f: {  	[sflag:s17] =	ssyncadd.s32 $0xFFFFF000  }
0x20: {  	_ =	swait.ge [sflag:s17], $0x1000  }
0x21: {  	[sflag:s17] =	ssyncset.done $0x0  }
0x22: {  	[sflag:s17] =	ssyncadd.s32 $0xFFFFF000  }
0x23: {  	_ =	swait.ge [sflag:s17], $0x1000  }
0x24: {  	[sflag:s17] =	ssyncset.done $0x0  }
0x25: {  	[sflag:s17] =	ssyncadd.s32 $0xFFFFF000  }
0x26: {  	_ =	swait.ge [sflag:s17], $0x1000  }
0x27: {  	[sflag:s17] =	ssyncset.done $0x0  }
0x28: {  	[sflag:s17] =	ssyncadd.s32 $0xFFFFF000  }
0x29: {  	_ =	swait.ge [sflag:s17], $0x1000  }
0x2a: {  	[sflag:s17] =	ssyncset.done $0x0  }
0x2b: {  	[sflag:s17] =	ssyncadd.s32 $0xFFFFF000  }
0x2c: {  	[tilespmem:s19], [sflag:$0x1] =	stream.indirect.gather [hbm4b:s3+s8], $0x10, s18, s8, $0xb8;
	[tilespmem:$0x16800] =	vst v63  }
0x2d: {  	_ = 	snop  }
0x2e: {  	[tilespmem:s21], [sflag:$0x1] =	stream.indirect.gather [hbm4b:s3+s8], $0x10, s20, s8, $0xb8;
	[tilespmem:$0x16800] =	vst v63  }
0x2f: {  	_ = 	snop  }
0x30: {  	[tilespmem:s23], [sflag:$0x1] =	stream.indirect.gather [hbm4b:s3+s8], $0x10, s22, s8, $0xb8;
	[tilespmem:$0x16800] =	vst v63  }
0x31: {  	_ = 	snop  }
0x32: {  	[tilespmem:s25], [sflag:$0x1] =	stream.indirect.gather [hbm4b:s3+s8], $0x10, s24, s8, $0xb8;
	[tilespmem:$0x16800] =	vst v63  }
0x33: {  	_ = 	snop  }
0x34: {  	[tilespmem:s28], [sflag:$0x1] =	stream.indirect.gather [hbm4b:s3+s8], $0x10, s26, s8, $0xb8;
	[tilespmem:$0x16800] =	vst v63  }
0x35: {  	_ =	swait.ge [sflag:s17], $0x1000  }
0x36: {  	[sflag:s17] =	ssyncset.done $0x0  }
0x37: {  	[sflag:s17] =	ssyncadd.s32 $0xFFFFF000  }
0x38: {  	_ =	swait.ge [sflag:s17], $0x1000  }
0x39: {  	[sflag:s17] =	ssyncset.done $0x0  }
0x3a: {  	[sflag:s17] =	ssyncadd.s32 $0xFFFFF000  }
0x3b: {  	_ =	swait.ge [sflag:s17], $0x1000  }
0x3c: {  	[sflag:s17] =	ssyncset.done $0x0  }
0x3d: {  	[sflag:s17] =	ssyncadd.s32 $0xFFFFF000  }
0x3e: {  	_ =	swait.ge [sflag:s17], $0x1000  }
0x3f: {  	[sflag:s17] =	ssyncset.done $0x0  }
0x40: {  	[sflag:s17] =	ssyncadd.s32 $0xFFFFF000  }
0x41: {  	_ =	swait.ge [sflag:s17], $0x1000  }
0x42: {  	[sflag:s17] =	ssyncset.done $0x0  }
0x43: {  	s1 =	simm.s32 $0xA00;
	[sflag:s17] =	ssyncadd.s32 $0xFFFFF000  }
0x44: {  	[tilespmem:s9], [sflag:$0x1] =	stream.indirect.gather [hbm4b:s3+s8], $0x10, s1, s8, $0xb8;
	[tilespmem:$0x16800] =	vst v63  }
0x45: {  	s11 =	simm.s32 $0xB00  }
0x46: {  	[tilespmem:s10], [sflag:$0x1] =	stream.indirect.gather [hbm4b:s3+s8], $0x10, s11, s8, $0xb8;
	[tilespmem:$0x16800] =	vst v63  }
0x47: {  	s1 =	simm.s32 $0xC00  }
0x48: {  	[tilespmem:s12], [sflag:$0x1] =	stream.indirect.gather [hbm4b:s3+s8], $0x10, s1, s8, $0xb8;
	[tilespmem:$0x16800] =	vst v63  }
0x49: {  	s11 =	simm.s32 $0xD00  }
0x4a: {  	[tilespmem:s14], [sflag:$0x1] =	stream.indirect.gather [hbm4b:s3+s8], $0x10, s11, s8, $0xb8;
	[tilespmem:$0x16800] =	vst v63  }
0x4b: {  	s1 =	simm.s32 $0xE00  }
0x4c: {  	[tilespmem:s16], [sflag:$0x1] =	stream.indirect.gather [hbm4b:s3+s8], $0x10, s1, s8, $0xb8;
	[tilespmem:$0x16800] =	vst v63  }
0x4d: {  	_ =	swait.ge [sflag:s17], $0x1000  }
0x4e: {  	[sflag:s17] =	ssyncset.done $0x0  }
0x4f: {  	[sflag:s17] =	ssyncadd.s32 $0xFFFFF000  }
0x50: {  	_ =	swait.ge [sflag:s17], $0x1000  }
0x51: {  	[sflag:s17] =	ssyncset.done $0x0  }
0x52: {  	[sflag:s17] =	ssyncadd.s32 $0xFFFFF000  }
0x53: {  	_ =	swait.ge [sflag:s17], $0x1000  }
0x54: {  	[sflag:s17] =	ssyncset.done $0x0  }
0x55: {  	[sflag:s17] =	ssyncadd.s32 $0xFFFFF000  }
0x56: {  	_ =	swait.ge [sflag:s17], $0x1000  }
0x57: {  	[sflag:s17] =	ssyncset.done $0x0  }
0x58: {  	[sflag:s17] =	ssyncadd.s32 $0xFFFFF000  }
0x59: {  	_ =	swait.ge [sflag:s17], $0x1000  }
0x5a: {  	[sflag:s17] =	ssyncset.done $0x0  }
0x5b: {  	s11 =	simm.s32 $0xF00;
	[sflag:s17] =	ssyncadd.s32 $0xFFFFF000  }
0x5c: {  	[tilespmem:s19], [sflag:$0x1] =	stream.indirect.gather [hbm4b:s3+s8], $0x10, s11, s8, $0xb8;
	[tilespmem:$0x16800] =	vst v63  }
0x5d: {  	s1 =	simm.s32 $0x1000  }
0x5e: {  	[tilespmem:s21], [sflag:$0x1] =	stream.indirect.gather [hbm4b:s3+s8], $0x10, s1, s8, $0xb8;
	[tilespmem:$0x16800] =	vst v63  }
0x5f: {  	s11 =	simm.s32 $0x1100  }
0x60: {  	[tilespmem:s23], [sflag:$0x1] =	stream.indirect.gather [hbm4b:s3+s8], $0x10, s11, s8, $0xb8;
	[tilespmem:$0x16800] =	vst v63  }
0x61: {  	s1 =	simm.s32 $0x1200  }
0x62: {  	[tilespmem:s25], [sflag:$0x1] =	stream.indirect.gather [hbm4b:s3+s8], $0x10, s1, s8, $0xb8;
	[tilespmem:$0x16800] =	vst v63  }
0x63: {  	s11 =	simm.s32 $0x1300  }
0x64: {  	[tilespmem:s28], [sflag:$0x1] =	stream.indirect.gather [hbm4b:s3+s8], $0x10, s11, s8, $0xb8;
	[tilespmem:$0x16800] =	vst v63  }
0x65: {  	_ =	swait.ge [sflag:s17], $0x1000  }
0x66: {  	[sflag:s17] =	ssyncset.done $0x0  }
0x67: {  	[sflag:s17] =	ssyncadd.s32 $0xFFFFF000  }
0x68: {  	_ =	swait.ge [sflag:s17], $0x1000  }
0x69: {  	[sflag:s17] =	ssyncset.done $0x0  }
0x6a: {  	[sflag:s17] =	ssyncadd.s32 $0xFFFFF000  }
0x6b: {  	_ =	swait.ge [sflag:s17], $0x1000  }
0x6c: {  	[sflag:s17] =	ssyncset.done $0x0  }
0x6d: {  	[sflag:s17] =	ssyncadd.s32 $0xFFFFF000  }
0x6e: {  	_ =	swait.ge [sflag:s17], $0x1000  }
0x6f: {  	[sflag:s17] =	ssyncset.done $0x0  }
0x70: {  	[sflag:s17] =	ssyncadd.s32 $0xFFFFF000  }
0x71: {  	_ =	swait.ge [sflag:s17], $0x1000  }
0x72: {  	s31 =	simm.s32 $0x5000;
	s30 =	simm.s32 $0xA00;
	[sflag:s17] =	ssyncset.done $0x0  }
.LBB2_2:
0x73: {  	s11 =	sadd.s32 $0xA00, s30  }
0x74: {  	[sflag:s17] =	ssyncadd.s32 $0xFFFFF000;
	s1 =	smov.u32 s31;
	s0 =	sadd.s32 $0x2800, s31  }
0x75: {  	[tilespmem:s9], [sflag:$0x1] =	stream.indirect.gather [hbm4b:s3+s8], $0x10, s11, s8, $0xb8;
	[tilespmem:$0x16800] =	vst v63  }
0x76: {  	p0 =	sne.s32 s31, $0x2D000;
	s11 =	sadd.s32 $0xB00, s30  }
0x77: {  	[tilespmem:s10], [sflag:$0x1] =	stream.indirect.gather [hbm4b:s3+s8], $0x10, s11, s8, $0xb8;
	[tilespmem:$0x16800] =	vst v63  }
0x78: {  	s11 =	sadd.s32 $0xC00, s30  }
0x79: {  	[tilespmem:s12], [sflag:$0x1] =	stream.indirect.gather [hbm4b:s3+s8], $0x10, s11, s8, $0xb8;
	[tilespmem:$0x16800] =	vst v63  }
0x7a: {  	s11 =	sadd.s32 $0xD00, s30  }
0x7b: {  	[tilespmem:s14], [sflag:$0x1] =	stream.indirect.gather [hbm4b:s3+s8], $0x10, s11, s8, $0xb8;
	[tilespmem:$0x16800] =	vst v63  }
0x7c: {  	s11 =	sadd.s32 $0xE00, s30  }
0x7d: {  	[tilespmem:s16], [sflag:$0x1] =	stream.indirect.gather [hbm4b:s3+s8], $0x10, s11, s8, $0xb8;
	[tilespmem:$0x16800] =	vst v63  }
0x7e: {  	_ =	swait.ge [sflag:s17], $0x1000  }
0x7f: {  	[sflag:s17] =	ssyncset.done $0x0  }
0x80: {  	[sflag:s17] =	ssyncadd.s32 $0xFFFFF000  }
0x81: {  	_ =	swait.ge [sflag:s17], $0x1000  }
0x82: {  	[sflag:s17] =	ssyncset.done $0x0  }
0x83: {  	[sflag:s17] =	ssyncadd.s32 $0xFFFFF000  }
0x84: {  	_ =	swait.ge [sflag:s17], $0x1000  }
0x85: {  	[sflag:s17] =	ssyncset.done $0x0  }
0x86: {  	[sflag:s17] =	ssyncadd.s32 $0xFFFFF000  }
0x87: {  	_ =	swait.ge [sflag:s17], $0x1000  }
0x88: {  	[sflag:s17] =	ssyncset.done $0x0  }
0x89: {  	[sflag:s17] =	ssyncadd.s32 $0xFFFFF000  }
0x8a: {  	_ =	swait.ge [sflag:s17], $0x1000  }
0x8b: {  	[sflag:s17] =	ssyncset.done $0x0  }
0x8c: {  	s11 =	sadd.s32 $0xF00, s30;
	[sflag:s17] =	ssyncadd.s32 $0xFFFFF000  }
0x8d: {  	[tilespmem:s19], [sflag:$0x1] =	stream.indirect.gather [hbm4b:s3+s8], $0x10, s11, s8, $0xb8;
	[tilespmem:$0x16800] =	vst v63  }
0x8e: {  	s11 =	sadd.s32 $0x1000, s30  }
0x8f: {  	[tilespmem:s21], [sflag:$0x1] =	stream.indirect.gather [hbm4b:s3+s8], $0x10, s11, s8, $0xb8;
	[tilespmem:$0x16800] =	vst v63  }
0x90: {  	s11 =	sadd.s32 $0x1100, s30  }
0x91: {  	[tilespmem:s23], [sflag:$0x1] =	stream.indirect.gather [hbm4b:s3+s8], $0x10, s11, s8, $0xb8;
	[tilespmem:$0x16800] =	vst v63  }
0x92: {  	s11 =	sadd.s32 $0x1200, s30  }
0x93: {  	[tilespmem:s25], [sflag:$0x1] =	stream.indirect.gather [hbm4b:s3+s8], $0x10, s11, s8, $0xb8;
	[tilespmem:$0x16800] =	vst v63  }
0x94: {  	s11 =	sadd.s32 $0x1300, s30  }
0x95: {  	[tilespmem:s28], [sflag:$0x1] =	stream.indirect.gather [hbm4b:s3+s8], $0x10, s11, s8, $0xb8;
	[tilespmem:$0x16800] =	vst v63  }
0x96: {  	_ =	swait.ge [sflag:s17], $0x1000  }
0x97: {  	[sflag:s17] =	ssyncset.done $0x0  }
0x98: {  	[sflag:s17] =	ssyncadd.s32 $0xFFFFF000  }
0x99: {  	_ =	swait.ge [sflag:s17], $0x1000  }
0x9a: {  	[sflag:s17] =	ssyncset.done $0x0  }
0x9b: {  	[sflag:s17] =	ssyncadd.s32 $0xFFFFF000  }
0x9c: {  	_ =	swait.ge [sflag:s17], $0x1000  }
0x9d: {  	[sflag:s17] =	ssyncset.done $0x0  }
0x9e: {  	[sflag:s17] =	ssyncadd.s32 $0xFFFFF000  }
.Ltmp0:
0x9f: {  	_ =	swait.ge [sflag:s17], $0x1000;
	(pc) =	sbr.rel @p0 .LBB2_2-.Ltmp0, $4  }
0xa0: {  	[sflag:s17] =	ssyncset.done $0x0  }
0xa1: {  	[sflag:s17] =	ssyncadd.s32 $0xFFFFF000  }
0xa2: {  	_ =	swait.ge [sflag:s17], $0x1000  }
0xa3: {  	s31 =	smov.u32 s0;
	s30 =	sshra.s32 s1, $0x2;
	[sflag:s17] =	ssyncset.done $0x0  }
0xa4: {  	s0 =	sadd.s32 $0xA00, s30;
	[sflag:s17] =	ssyncadd.s32 $0xFFFFF000  }
0xa5: {  	[tilespmem:s9], [sflag:$0x1] =	stream.indirect.gather [hbm4b:s3+s8], $0x10, s0, s8, $0xb8;
	[tilespmem:$0x16800] =	vst v63  }
0xa6: {  	s1 =	sadd.s32 $0xB00, s30  }
0xa7: {  	[tilespmem:s10], [sflag:$0x1] =	stream.indirect.gather [hbm4b:s3+s8], $0x10, s1, s8, $0xb8;
	[tilespmem:$0x16800] =	vst v63  }
0xa8: {  	s11 =	sadd.s32 $0xC00, s30  }
0xa9: {  	[tilespmem:s12], [sflag:$0x1] =	stream.indirect.gather [hbm4b:s3+s8], $0x10, s11, s8, $0xb8;
	[tilespmem:$0x16800] =	vst v63  }
0xaa: {  	s31 =	sadd.s32 $0xD00, s30  }
0xab: {  	[tilespmem:s14], [sflag:$0x1] =	stream.indirect.gather [hbm4b:s3+s8], $0x10, s31, s8, $0xb8;
	[tilespmem:$0x16800] =	vst v63  }
0xac: {  	s1 =	sadd.s32 $0xE00, s30  }
0xad: {  	[tilespmem:s16], [sflag:$0x1] =	stream.indirect.gather [hbm4b:s3+s8], $0x10, s1, s8, $0xb8;
	[tilespmem:$0x16800] =	vst v63  }
0xae: {  	_ =	swait.ge [sflag:s17], $0x1000  }
0xaf: {  	[sflag:s17] =	ssyncset.done $0x0  }
0xb0: {  	[sflag:s17] =	ssyncadd.s32 $0xFFFFF000  }
0xb1: {  	_ =	swait.ge [sflag:s17], $0x1000  }
0xb2: {  	[sflag:s17] =	ssyncset.done $0x0  }
0xb3: {  	[sflag:s17] =	ssyncadd.s32 $0xFFFFF000  }
0xb4: {  	_ =	swait.ge [sflag:s17], $0x1000  }
0xb5: {  	[sflag:s17] =	ssyncset.done $0x0  }
0xb6: {  	[sflag:s17] =	ssyncadd.s32 $0xFFFFF000  }
0xb7: {  	_ =	swait.ge [sflag:s17], $0x1000  }
0xb8: {  	[sflag:s17] =	ssyncset.done $0x0  }
0xb9: {  	[sflag:s17] =	ssyncadd.s32 $0xFFFFF000  }
0xba: {  	_ =	swait.ge [sflag:s17], $0x1000  }
0xbb: {  	[sflag:s17] =	ssyncset.done $0x0  }
0xbc: {  	s11 =	sadd.s32 $0xF00, s30;
	[sflag:s17] =	ssyncadd.s32 $0xFFFFF000  }
0xbd: {  	[tilespmem:s19], [sflag:$0x1] =	stream.indirect.gather [hbm4b:s3+s8], $0x10, s11, s8, $0xb8;
	[tilespmem:$0x16800] =	vst v63  }
0xbe: {  	s31 =	sadd.s32 $0x1000, s30  }
0xbf: {  	[tilespmem:s21], [sflag:$0x1] =	stream.indirect.gather [hbm4b:s3+s8], $0x10, s31, s8, $0xb8;
	[tilespmem:$0x16800] =	vst v63  }
0xc0: {  	s1 =	sadd.s32 $0x1100, s30  }
0xc1: {  	[tilespmem:s23], [sflag:$0x1] =	stream.indirect.gather [hbm4b:s3+s8], $0x10, s1, s8, $0xb8;
	[tilespmem:$0x16800] =	vst v63  }
0xc2: {  	s11 =	sadd.s32 $0x1200, s30  }
0xc3: {  	[tilespmem:s25], [sflag:$0x1] =	stream.indirect.gather [hbm4b:s3+s8], $0x10, s11, s8, $0xb8;
	[tilespmem:$0x16800] =	vst v63  }
0xc4: {  	s31 =	sadd.s32 $0x1300, s30  }
0xc5: {  	[tilespmem:s28], [sflag:$0x1] =	stream.indirect.gather [hbm4b:s3+s8], $0x10, s31, s8, $0xb8;
	[tilespmem:$0x16800] =	vst v63  }
0xc6: {  	_ =	swait.ge [sflag:s17], $0x1000  }
0xc7: {  	[sflag:s17] =	ssyncset.done $0x0  }
0xc8: {  	[sflag:s17] =	ssyncadd.s32 $0xFFFFF000  }
0xc9: {  	_ =	swait.ge [sflag:s17], $0x1000  }
0xca: {  	[sflag:s17] =	ssyncset.done $0x0  }
0xcb: {  	[sflag:s17] =	ssyncadd.s32 $0xFFFFF000  }
0xcc: {  	_ =	swait.ge [sflag:s17], $0x1000  }
0xcd: {  	[sflag:s17] =	ssyncset.done $0x0  }
0xce: {  	[sflag:s17] =	ssyncadd.s32 $0xFFFFF000  }
0xcf: {  	_ =	swait.ge [sflag:s17], $0x1000  }
0xd0: {  	[sflag:s17] =	ssyncset.done $0x0  }
0xd1: {  	[sflag:s17] =	ssyncadd.s32 $0xFFFFF000  }
0xd2: {  	s29 =	sadd.s32 $0x1, s29;
	_ =	swait.ge [sflag:s17], $0x1000  }
0xd3: {  	p0 =	sne.s32 s29, s6;
	[sflag:s17] =	ssyncset.done $0x0  }
.Ltmp1:
0xd4: {  	[sflag:s17] =	ssyncadd.s32 $0xFFFFF000;
	(pc) =	sbr.rel @p0 .LBB2_1-.Ltmp1, $4  }
0xd5: {  	[hbm4b:s5+s2] =	stream.linear.scatter [tilespmem:s9], [sflag:$0x2], $0x5000, $0x38;
	[tilespmem:$0x16800] =	vst v63  }
0xd6: {  	_ =	swait.ge [sflag:s7], $0x5000  }
0xd7: {  	[sflag:s7] =	ssyncset.done $0x0  }
0xd8: {  	[sflag:s7] =	ssyncadd.s32 $0xFFFFB000  }
0xd9: {  	_ =	sfence.sel $0x180000  }
0xda: {  	[bflag:$0x0] =	sbarrier.arrive $0xFFFF  }
0xdb: {  	_ =	strace $0x90000047  }
0xdc: {  	s0 =	stileid.u32;
	[bflag:$0x2] =	sbarrier.arrive $0xFFFF  }
0xdd: {  	p0 =	sne.s32 s0, $0x0;
	s0 =	rddreg [dreg:$0x3]  }
0xde: {  	s0 =	sadd.s32 @!p0 $0x100000, s0  }
0xdf: {  	[sflag:s0] =	ssyncadd.tile.s32 @!p0 $0x1;
	_ =	shalt  }
.Lfunc_end2:
_tile_overlayer_lowered:
.L_overlay_start_2:
0xe0: {  	(tag) =	ssettag $0x2  }
0xe1: {  	s0 =	rddreg [dreg:$0x0];
	s2 =	stileid.u32  }
0xe2: {  	s1 =	rddreg [dreg:$0x1];
	p0 =	sne.s32 s2, $0x0  }
0xe3: {  	s3 =	rddreg [dreg:$0x2];
	[bflag:$0x3] =	sbarrier.arrive $0xFFFF;
	s2 =	simm.s32 @!p0 $0x1C02  }
0xe4: {  	[timem:s3], [sflag:s2] =	dma.local @!p0 [hbm:s0], s1  }
0xe5: {  	s0 =	simm.s32 @!p0 $0x2  }
0xe6: {  	_ =	swait.ge @!p0 [sflag:s0], s1  }
0xe7: {  	s1 =	ssub.s32 @!p0 $0x0, s1;
	[sflag:s0] =	ssyncset.done @!p0 $0x0  }
0xe8: {  	[sflag:s0] =	ssyncadd.s32 @!p0 s1  }
0xe9: {  	[bflag:$0x3] =	sbarrier.arrive $0xFFFF  }
0xea: {  	_ =	shalt  }

// kernel: sparse-core-data-format-call.cloned.1.call-start
scs
called_computation_lowered:
.L_overlay_start_0:
0x0: {  	s2 =	sld [smem:$0x3FD9]  }
0x1: {  	s3 =	sld [smem:$0x3FFE];
	_ =	sdelay $0x1  }
0x2: {  	s1 =	srdreg.scid  }
0x3: {  	s0 =	sand.u32 $0x1, s1  }
0x4: {  	s18 =	sshll.u32 s0, $0xA;
	s2 =	sadd.s32 s3, s2  }
0x5: {  	s2 =	sadd.s32 s2, s18  }
0x6: {  	[smem:$0x3FC6] =	sst s2  }
0x7: {  	_ = 	snop  }
0x8: {  	s2 =	sld [smem:$0x3FD0];
	(tm) =	ssettm $0x1  }
0x9: {  	s19 =	sld [smem:$0x3FFB];
	_ =	sdelay $0x3  }
0xa: {  	_ =	strace s19  }
0xb: {  	s3 =	sld [smem:$0x3FFC];
	_ =	sdelay $0x3  }
0xc: {  	_ =	strace s3  }
0xd: {  	s3 =	sld [smem:$0x3FFD];
	_ =	sdelay $0x3  }
0xe: {  	_ =	strace s3  }
0xf: {  	_ =	strace $0x8FFFFFFF  }
0x10: {  	s20 =	sld [smem:$0x3FDB];
	_ =	sdelay $0x1  }
0x11: {  	s4 =	simm.s32 $_scs_section_size  }
0x12: {  	s5 =	simm.s32 $_size__tile_overlayer_lowered;
	s6 =	simm.s32 $_tile_overlayer_lowered  }
0x13: {  	s23 =	simm.s32 $0x1BFF;
	s22 =	sshll.u32 s6, $0x1;
	s3 =	sadd.s32 s4, s20  }
0x14: {  	s7 =	simm.s32 $0x0;
	s21 =	sshll.u32 s5, $0x1;
	s5 =	sadd.s32 s22, s3  }
0x15: {  	[timem:s7], [sflag:s23] =	dma.local [hbm:s5], s21  }
0x16: {  	_ =	swait.ge [sflag:s23], s21  }
0x17: {  	s4 =	ssub.s32 $0x0, s21;
	[sflag:s23] =	ssyncset.done $0x0  }
0x18: {  	[sflag:s23] =	ssyncadd.s32 s4;
	_ =	sdelay $0x1  }
0x19: {  	s24 =	simm.s32 $0x1B8B  }
0x1a: {  	_ =	swait.ge [sflag:s24], $0x1  }
0x1b: {  	[sflag:s24] =	ssyncset.done $0x0  }
0x1c: {  	s26 =	simm.s32 $0x1B8E;
	s25 =	sld [smem:$0x3FFE];
	[sflag:s24] =	ssyncadd.s32 $0xFFFFFFFF  }
0x1d: {  	s27 =	simm.s32 $execute0_lowered;
	[smem:$0x3FD2] =	sst s26  }
0x1e: {  	s5 =	sshll.u32 s27, $0x1;
	_ =	strace $0x80000049;
	[dreg:$0x1] =	wrdreg $0xFFFFFFFF  }
0x1f: {  	s28 =	simm.s32 $_size_execute0_lowered;
	s3 =	sadd.s32 s3, s5;
	[dreg:$0x0] =	wrdreg $0x0  }
0x20: {  	s5 =	sshll.u32 s28, $0x1;
	[dreg:$0x2] =	wrdreg s3  }
0x21: {  	[dreg:$0x3] =	wrdreg s5  }
0x22: {  	[dreg:$0x4] =	wrdreg $0xC0  }
0x23: {  	_ =	task [dreg:s7], $0x5FFFF  }
0x24: {  	[dreg:$0x1] =	wrdreg $0xFFFFFFFF  }
0x25: {  	[dreg:$0x0] =	wrdreg $0x60  }
0x26: {  	[dreg:$0x2] =	wrdreg s25  }
0x27: {  	[dreg:$0x3] =	wrdreg s2  }
0x28: {  	[dreg:$0x4] =	wrdreg $0x9  }
0x29: {  	_ =	task.clear_ibuf [dreg:s7], $0x5FFFF;
	_ =	strace $0x90000049  }
0x2a: {  	s29 =	simm.s32 $0x9;
	_ =	strace $0x8000004B  }
0x2b: {  	_ =	swait.ge [sflag:s29], $0x1  }
0x2c: {  	[sflag:s29] =	ssyncadd.s32 $0xFFFFFFFF  }
0x2d: {  	_ =	strace $0x9000004B  }
0x2e: {  	_ =	sfence  }
0x2f: {  	s30 =	sld [smem:$0x0];
	_ =	sdelay $0x2  }
0x30: {  	s31 =	sshll.u32 s1, $0xD;
	s1 =	sshrl.u32 s1, $0x2  }
0x31: {  	s3 =	sand.u32 $0x4000, s31;
	s1 =	sadd.s32 s1, s30  }
0x32: {  	s0 =	sor.u32 s3, s0;
	s1 =	sshll.u32 s1, $0x11  }
0x33: {  	s0 =	sor.u32 s1, s0  }
0x34: {  	s0 =	sadd.s32 $0x8F2B, s0  }
0x35: {  	[sflag:s0] =	ssyncadd.remote.s32 $0x1  }
0x36: {  	_ =	sfence.sel $0xFFFF  }
0x37: {  	[dreg:$0x0] =	wrdreg $0xFFFFFFFF;
	(pc) =	sbr.abs _section_cstart, $3  }
0x38: {  	[dreg:$0x1] =	wrdreg $0xFFFFFFFF  }
0x39: {  	_ =	task.clear_ibuf [dreg:s7], $0x2FFFF;
	_ =	strace $0x9FFFFFFF  }
0x3a: {  	(tm) =	ssettm $0x7FFFFFFF  }
0x3b: {  	_ =	shalt  }
tec
execute0_lowered:
.L_overlay_start_1:
0x0: {  	(tag) =	ssettag $0x1  }
0x1: {  	s0 =	srdreg.scid  }
0x2: {  	s1 =	sshll.u32 s0, $0x4  }
0x3: {  	s4 =	rddreg [dreg:$0x0];
	s0 =	stileid.u32;
	s1 =	sand.u32 $0x10, s1  }
0x4: {  	s2 =	rddreg [dreg:$0x1];
	s7 =	simm.s32 $0x1;
	s1 =	sor.u32 s0, s1  }
0x5: {  	s8 =	simm.s32 $0x2;
	s11 =	simm.s32 $0x0;
	s3 =	sshll.u32 s1, $0x7  }
0x6: {  	s10 =	simm.s32 $0x0;
	s4 =	sadd.s32 $0x800, s4;
	s6 =	ssub.s32 $0x190000, s3  }
.Ltmp0:
0x7: {  	s1 =	rddreg [dreg:$0x2];
	s5 =	sand.u32 $0xF80, s6;
	(pc) =	sbr.rel .LBB1_1-.Ltmp0, $4  }
0x8: {  	_ =	strace $0x8000004A;
	s9 =	smov.u32 s3;
	p0 =	sne.s32 s5, $0x0  }
0x9: {  	s6 =	sshrl.u32 s6, $0xC;
	s5 =	simm.s32 $0x1;
	s7 =	simm.s32 @!p0 $0x0  }
0xa: {  	[sflag:s5] =	ssyncpa.u1 $0x0;
	p0 =	por $0x0, $0x0;
	s6 =	sadd.s32 s7, s6  }
0xb: {  	[sflag:s8] =	ssyncpa.u1 $0x0;
	s8 =	simm.s32 $0xC80000;
	s7 =	sadd.s32 $0x1, s6  }
.LBB1_4:
0xc: {  	s14 =	sshll.u32 s11, $0x3  }
0xd: {  	s30 =	sand.u32 $0x7F, s11;
	s15 =	sand.u32 $0xFFFFFC00, s14  }
0xe: {  	s11 =	sor.u32 s30, s15  }
0xf: {  	s15 =	smulhi.u32 $0x51EB851F, s11  }
0x10: {  	s14 =	smulhi.u32 $0x51EB851F, s14  }
0x11: {  	s15 =	sshrl.u32 s15, $0x13  }
0x12: {  	s14 =	sshrl.u32 s14, $0x13;
	s15 =	smul.u32 $0x190000, s15  }
0x13: {  	[tilespmem:s12+$0xFFFFFFFC ss:$0x81] =	vst.msk $0xffff, v1;
	s14 =	sand.u32 $0xF, s14  }
0x14: {  	[tilespmem:s12+$0xFFFFFFFD ss:$0x81] =	vst.msk $0xffff, v2;
	s14 =	smul.u32 $0x32000, s14;
	s11 =	ssub.s32 s11, s15  }
0x15: {  	[tilespmem:s12+$0xFFFFFFFE ss:$0x81] =	vst.msk $0xffff, v0;
	s15 =	sand.u32 $0x7, s11  }
0x16: {  	[tilespmem:s12+$0xFFFFFFFF ss:$0x81] =	vst.msk $0xffff, v4;
	s14 =	sadd.s32 s2, s14;
	s11 =	sshrl.u32 s11, $0x3;
	s15 =	sshll.u32 s15, $0x12  }
0x17: {  	[tilespmem:s12+$0xFFFFFFF9 ss:$0x81] =	vst.msk $0xffff, v3;
	s11 =	sadd.s32 s11, s14;
	s31 =	sor.u32 $0x400, s15  }
0x18: {  	[hbm4b:s11+s31] =	stream.strided.scatter [tilespmem:s13], [sflag:$0x2], $0x800, s8, s31, $0x20;
	[tilespmem:$0x2020] =	vst v63  }
.LBB1_5:
0x19: {  	s13 =	sadd.s32 $0x1000, s9  }
0x1a: {  	p2 =	sgt.s32 s13, $0x18FFFF  }
0x1b: {  	s13 =	smov.u32 @p2 s3;
	p2 =	sne.s32 s10, s7  }
.Ltmp1:
0x1c: {  	p1 =	slt.u32 s10, $0x2;
	(pc) =	sbr.rel @!p2 .LBB1_6-.Ltmp1, $4  }
0x1d: {  	s12 =	simm.s32 @!p1 $0x2  }
0x1e: {  	s14 =	sadd.s32 $0x1, s10;
	_ =	swait.ge @!p1 [sflag:s12], $0x800  }
0x1f: {  	s11 =	smov.u32 s9;
	p0 =	por !p0, !p0;
	[sflag:s12] =	ssyncset.done @!p1 $0x0  }
0x20: {  	s10 =	smov.u32 s14;
	s9 =	smov.u32 s13;
	[sflag:s12] =	ssyncadd.s32 @!p1 $0xFFFFF800  }
.LBB1_1:
0x21: {  	p1 =	sge.u32 s10, s6  }
0x22: {  	s12 =	sand.u32 @!p1 $0x1FFFFFF, s9  }
0x23: {  	s13 =	smulhi.u32 @!p1 $0x147AE15, s12;
	_ =	sdelay $0x1  }
0x24: {  	s13 =	sshrl.u32 @!p1 s13, $0xD  }
0x25: {  	s13 =	smul.u32 @!p1 $0x190000, s13;
	_ =	sdelay $0x1  }
0x26: {  	s31 =	sadd.s32 $0xFFFFFFFF, s10;
	s14 =	sxor.u32 @!p1 $0xFFFFFFFF, s10;
	s12 =	ssub.s32 @!p1 s12, s13  }
0x27: {  	s15 =	simm.s32 @!p1 $0x80;
	s14 =	sshll.u32 @!p1 s14, $0xB;
	s12 =	sshll.u32 @!p1 s12, $0x4  }
0x28: {  	s13 =	sand.u32 @!p1 $0x800, s14;
	s14 =	simm.s32 @!p1 $0x10;
	s12 =	sadd.s32 @!p1 s4, s12  }
0x29: {  	[tilespmem:s13], [sflag:$0x1] =	stream.strided.gather @!p1 [hbm4b:s12+s14], $0x800, s15, s14, $0x38;
	[tilespmem:$0x2020] =	vst v63  }
0x2a: {  	p1 =	sge.u32 s31, s6  }
.Ltmp2:
0x2b: {  	_ = 	snop;
	(pc) =	sbr.rel @p1 .LBB1_5-.Ltmp2, $1  }
0x2c: {  	_ =	sdelay $0x3  }
0x2d: {  	s12 =	simm.s32 $0x1  }
0x2e: {  	_ =	swait.ge [sflag:s5], $0x800;
	s12 =	simm.s32 @!p0 $0x0  }
0x2f: {  	[sflag:s5] =	ssyncset.done $0x0;
	s13 =	sshll.u32 s12, $0xB  }
0x30: {  	[sflag:s5] =	ssyncadd.s32 $0xFFFFF800;
	s15 =	sor.u32 $0x40, s13  }
0x31: {  	v3 =	vld [tilespmem:s15+$0x30]  }
0x32: {  	s12 =	smul.u32 $0x2040, s12;
	v4 =	vld [tilespmem:s15+$0xFFFFFFD0]  }
0x33: {  	v5 =	vld [tilespmem:s15+$0xFFFFFFE0]  }
0x34: {  	s31 =	sand.u32 $0x1, s10;
	s12 =	sshrl.u32 s12, $0x2;
	v1 =	vld [tilespmem:s15+$0xFFFFFFF0]  }
0x35: {  	s13 =	smul.u32 $0x2040, s31;
	v2 =	vld [tilespmem:s15+$0x0];
	s12 =	sor.u32 $0x1007, s12  }
0x36: {  	v0 =	vld [tilespmem:s15+$0x10];
	[tilespmem:s12+$0x0 ss:$0x81] =	vst.msk $0xffff, v3  }
0x37: {  	s13 =	sshrl.u32 s13, $0x2;
	[tilespmem:s12+$0xFFFFFFFA ss:$0x81] =	vst.msk $0xffff, v4;
	v4 =	vld [tilespmem:s15+$0x20]  }
0x38: {  	s14 =	simm.s32 $0x0;
	s13 =	sor.u32 $0x1000, s13;
	v3 =	vld [tilespmem:s15+$0xFFFFFFC0];
	[tilespmem:s12+$0xFFFFFFFB ss:$0x81] =	vst.msk $0xffff, v5;
	s15 =	sadd.s32 $0x80, s15  }
.LBB1_3:
0x39: {  	v5 =	vld [tilespmem:s15+$0x30];
	s14 =	sadd.s32 $0x8, s14;
	[tilespmem:s12+$0xFFFFFFFC ss:$0x81] =	vst.msk $0xffff, v1  }
0x3a: {  	v6 =	vld [tilespmem:s15+$0xFFFFFFD0];
	p1 =	slt.u32 s14, $0x78;
	[tilespmem:s12+$0xFFFFFFFD ss:$0x81] =	vst.msk $0xffff, v2  }
0x3b: {  	v7 =	vld [tilespmem:s15+$0xFFFFFFE0];
	[tilespmem:s12+$0xFFFFFFFE ss:$0x81] =	vst.msk $0xffff, v0  }
.Ltmp3:
0x3c: {  	v1 =	vld [tilespmem:s15+$0xFFFFFFF0];
	[tilespmem:s12+$0xFFFFFFFF ss:$0x81] =	vst.msk $0xffff, v4;
	(pc) =	sbr.rel @p1 .LBB1_3-.Ltmp3, $4  }
0x3d: {  	v2 =	vld [tilespmem:s15+$0x0];
	[tilespmem:s12+$0xFFFFFFF9 ss:$0x81] =	vst.msk $0xffff, v3;
	s12 =	sadd.s32 $0x8, s12  }
0x3e: {  	v0 =	vld [tilespmem:s15+$0x10];
	[tilespmem:s12+$0x0 ss:$0x81] =	vst.msk $0xffff, v5  }
0x3f: {  	[tilespmem:s12+$0xFFFFFFFA ss:$0x81] =	vst.msk $0xffff, v6;
	v4 =	vld [tilespmem:s15+$0x20]  }
0x40: {  	v3 =	vld [tilespmem:s15+$0xFFFFFFC0];
	[tilespmem:s12+$0xFFFFFFFB ss:$0x81] =	vst.msk $0xffff, v7;
	s15 =	sadd.s32 $0x80, s15  }
.Ltmp4:
0x41: {  	_ = 	snop;
	(pc) =	sbr.rel .LBB1_4-.Ltmp4, $1  }
0x42: {  	_ =	sdelay $0x3  }
.LBB1_6:
0x43: {  	_ =	sfence.sel $0x180000  }
0x44: {  	s2 =	simm.s32 $0x1;
	[bflag:$0x0] =	sbarrier.arrive $0xFFFF  }
0x45: {  	s31 =	simm.s32 $0x2;
	[sflag:s2] =	ssyncpa.u1 $0x1  }
0x46: {  	[sflag:s31] =	ssyncpa.u1 $0x1  }
0x47: {  	p0 =	sne.s32 s0, $0x0;
	_ =	strace $0x9000004A  }
0x48: {  	s0 =	sadd.s32 @!p0 $0x100000, s1;
	[bflag:$0x2] =	sbarrier.arrive $0xFFFF  }
0x49: {  	[sflag:s0] =	ssyncadd.tile.s32 @!p0 $0x1;
	_ =	shalt  }
.Lfunc_end1:
_tile_overlayer_lowered:
.L_overlay_start_2:
0x4a: {  	(tag) =	ssettag $0x2  }
0x4b: {  	s0 =	rddreg [dreg:$0x0];
	s2 =	stileid.u32  }
0x4c: {  	s1 =	rddreg [dreg:$0x1];
	p0 =	sne.s32 s2, $0x0  }
0x4d: {  	s3 =	rddreg [dreg:$0x2];
	[bflag:$0x3] =	sbarrier.arrive $0xFFFF;
	s2 =	simm.s32 @!p0 $0x1C01  }
0x4e: {  	[timem:s3], [sflag:s2] =	dma.local @!p0 [hbm:s0], s1  }
0x4f: {  	s0 =	simm.s32 @!p0 $0x1  }
0x50: {  	_ =	swait.ge @!p0 [sflag:s0], s1  }
0x51: {  	s1 =	ssub.s32 @!p0 $0x0, s1;
	[sflag:s0] =	ssyncset.done @!p0 $0x0  }
0x52: {  	[sflag:s0] =	ssyncadd.s32 @!p0 s1  }
0x53: {  	[bflag:$0x3] =	sbarrier.arrive $0xFFFF  }
0x54: {  	_ =	shalt  }

</sc_bundles>
